<compile_context>
chip_gen: v7x
topology: tpu7x:2x2x1
jax: 0.10.2.dev20260603
libtpu: 0.0.44.dev20260713+nightly
codegen_flags: <defaults>
</compile_context>

<pallas_src>
import functools

import jax
import jax.numpy as jnp
from jax import lax
from jax.experimental import pallas as pl
from jax.experimental.pallas import tpu as pltpu
from jax.experimental.pallas import tpu_sc as plsc

N = 10000
D = 128
E = 320000
NC = 2
NS = 16
NW = NC * NS
EPW = E // NW
CHUNK = 80
NCHUNK = EPW // CHUNK
NPAD = 10240
RPT = NPAD // NS
CNTW = 16
DC = D + CNTW
L = 16



def _tc1_body(x_in_ref, w_in_ref, b_in_ref, w_l_ref, w_r_ref, y_ref, z_ref):
    x = jnp.dot(x_in_ref[...], w_in_ref[...],
                preferred_element_type=jnp.float32) + b_in_ref[...]
    y_ref[...] = jnp.dot(x, w_l_ref[...], preferred_element_type=jnp.float32)
    z_ref[...] = jnp.dot(x, w_r_ref[...], preferred_element_type=jnp.float32)


def _tc1(x_in, w_in, b_in, w_l, w_r):
    return pl.pallas_call(
        _tc1_body,
        out_shape=[
            jax.ShapeDtypeStruct((N, D), jnp.float32),
            jax.ShapeDtypeStruct((N, D), jnp.float32),
        ],
    )(x_in, w_in, b_in, w_l, w_r)



_MESH = plsc.VectorSubcoreMesh(core_axis_name="c", subcore_axis_name="s")


CA = 40
CPP = 50
CAA = 80
CPPA = 25
NPASS = 5
NBA = 2
NBB = 5


@functools.partial(
    pl.kernel,
    mesh=_MESH,
    out_type=[
        jax.ShapeDtypeStruct((NC, NPAD, D), jnp.float32),
        jax.ShapeDtypeStruct((NC, NPAD, D), jnp.float32),
    ],
    scratch_types=[
        pltpu.VMEM((CPPA, CAA), jnp.int32),
        pltpu.VMEM((CPPA, CAA), jnp.int32),
        [pltpu.VMEM((CAA, D), jnp.float32)] * NBA,
        pltpu.VMEM_SHARED((NPAD, D), jnp.float32),
        [pltpu.SemaphoreType.DMA] * NBA,
        [pltpu.SemaphoreType.DMA] * NBA,
        [pltpu.SemaphoreType.DMA] * NBB,
    ],
)
def _sc_segment_sum(y_hbm, src4_hbm, dst4_hbm, zagg_hbm, ones_hbm,
                    agg_out, cnt_out,
                    src_all, dst_all, rows, agg_sp, gsem, ssem, bsem):
    c = lax.axis_index("c")
    s = lax.axis_index("s")
    w = c * NS + s
    row0 = s * RPT
    pltpu.sync_copy(zagg_hbm.at[pl.ds(row0, RPT)], agg_sp.at[pl.ds(row0, RPT)])
    plsc.subcore_barrier()

    def pass_a(p, carry):
        pltpu.sync_copy(src4_hbm.at[w, p], src_all)
        pltpu.sync_copy(dst4_hbm.at[w, p], dst_all)
        for b in range(NBA):
            pltpu.async_copy(y_hbm.at[src_all.at[b]], rows[b], gsem[b])

        def grp_a(g, carry2):
            for b in range(NBA):
                j = g * NBA + b
                prev = (b - 1) % NBA
                pltpu.make_async_copy(y_hbm.at[src_all.at[j]], rows[b],
                                      gsem[b]).wait()
                pltpu.async_copy(rows[b], agg_sp.at[dst_all.at[j]], ssem[b],
                                 add=True)

                @pl.when(j > 0)
                def _():
                    pltpu.make_async_copy(rows[prev],
                                          agg_sp.at[dst_all.at[j - 1]],
                                          ssem[prev]).wait()

                @pl.when((j > 0) & (j + NBA - 1 < CPPA))
                def _():
                    pltpu.async_copy(y_hbm.at[src_all.at[j + NBA - 1]],
                                     rows[prev], gsem[prev])
            return carry2

        lax.fori_loop(0, CPPA // NBA, grp_a, 0)
        jt = CPPA - 1
        pltpu.make_async_copy(y_hbm.at[src_all.at[jt]], rows[0],
                              gsem[0]).wait()
        pltpu.async_copy(rows[0], agg_sp.at[dst_all.at[jt]], ssem[0],
                         add=True)
        pltpu.make_async_copy(rows[1], agg_sp.at[dst_all.at[jt - 1]],
                              ssem[1]).wait()
        pltpu.make_async_copy(rows[0], agg_sp.at[dst_all.at[jt]],
                              ssem[0]).wait()
        return carry

    lax.fori_loop(0, NPASS, pass_a, 0)
    plsc.subcore_barrier()
    pltpu.sync_copy(agg_sp.at[pl.ds(row0, RPT)],
                    agg_out.at[c, pl.ds(row0, RPT)])
    plsc.subcore_barrier()

    pltpu.sync_copy(zagg_hbm.at[pl.ds(row0, RPT)], agg_sp.at[pl.ds(row0, RPT)])
    pltpu.sync_copy(ones_hbm, rows[0])
    plsc.subcore_barrier()

    def pass_b(p, carry):
        pltpu.sync_copy(dst4_hbm.at[w, p], dst_all)

        def grp_b(g, carry2):
            for b in range(NBB):
                j = g * NBB + b

                @pl.when(g > 0)
                def _():
                    pltpu.make_async_copy(rows[0],
                                          agg_sp.at[dst_all.at[j - NBB]],
                                          bsem[b]).wait()

                pltpu.async_copy(rows[0], agg_sp.at[dst_all.at[j]], bsem[b],
                                 add=True)
            return carry2

        lax.fori_loop(0, CPPA // NBB, grp_b, 0)
        for b in range(NBB):
            pltpu.make_async_copy(
                rows[0], agg_sp.at[dst_all.at[CPPA - NBB + b]],
                bsem[b]).wait()
        return carry

    lax.fori_loop(0, NPASS, pass_b, 0)
    plsc.subcore_barrier()
    pltpu.sync_copy(agg_sp.at[pl.ds(row0, RPT)],
                    cnt_out.at[c, pl.ds(row0, RPT)])



def _tc2_body(aggp_ref, cntp_ref, z_ref, b_l_ref, w_bil_ref, h_ref, h2_ref):
    agg = aggp_ref[0, :N] + aggp_ref[1, :N]
    cnt = cntp_ref[0, :N, 0:1] + cntp_ref[1, :N, 0:1]
    h = agg / jnp.maximum(cnt, 1.0) + b_l_ref[...] + z_ref[...]
    h_ref[...] = h
    h2_ref[...] = jnp.dot(h, w_bil_ref[...],
                          preferred_element_type=jnp.float32)


def _tc2(aggp, cntp, z, b_l, w_bil):
    return pl.pallas_call(
        _tc2_body,
        out_shape=[
            jax.ShapeDtypeStruct((N, D), jnp.float32),
            jax.ShapeDtypeStruct((N, D), jnp.float32),
        ],
    )(aggp, cntp, z, b_l, w_bil)



NB2 = 2


@functools.partial(
    pl.kernel,
    mesh=_MESH,
    out_type=jax.ShapeDtypeStruct((E * L,), jnp.float32),
    scratch_types=[
        pltpu.VMEM((CPPA, CAA), jnp.int32),
        pltpu.VMEM((CPPA, CAA), jnp.int32),
        [pltpu.VMEM((CAA, D), jnp.float32)] * NB2,
        [pltpu.VMEM((CAA, D), jnp.float32)] * NB2,
        [pltpu.VMEM((CAA * L,), jnp.float32)] * 2,
        [pltpu.SemaphoreType.DMA] * NB2,
        [pltpu.SemaphoreType.DMA] * NB2,
        [pltpu.SemaphoreType.DMA] * 2,
    ],
)
def _sc_edge_dots(h_hbm, h2_hbm, e04_hbm, e14_hbm, out_hbm,
                  e0_all, e1_all, r1, r2, acc, g1sem, g2sem, osem):
    c = lax.axis_index("c")
    s = lax.axis_index("s")
    w = c * NS + s
    ebase = w * EPW

    def slot(p, j, b):
        par = b & 1
        gchunk = p * CPPA + j
        off = ebase + gchunk * CAA
        pltpu.make_async_copy(h_hbm.at[e0_all.at[j]], r1[b],
                              g1sem[b]).wait()
        pltpu.make_async_copy(h2_hbm.at[e1_all.at[j]], r2[b],
                              g2sem[b]).wait()

        @pl.when(gchunk >= 2)
        def _():
            pltpu.make_async_copy(
                acc[par], out_hbm.at[pl.ds(off * L, CAA * L)],
                osem[par]).wait()

        def edge_body(e, carry3):
            a = r1[b][e, pl.ds(0, L)] * r2[b][e, pl.ds(0, L)]
            for k in range(1, D // L):
                a = a + (r1[b][e, pl.ds(k * L, L)]
                         * r2[b][e, pl.ds(k * L, L)])
            acc[par][pl.ds(e * L, L)] = a
            return carry3

        lax.fori_loop(0, CAA, edge_body, 0)
        pltpu.async_copy(acc[par],
                         out_hbm.at[pl.ds(off * L, CAA * L)],
                         osem[par])

        @pl.when(j + NB2 < CPPA)
        def _():
            pltpu.async_copy(h_hbm.at[e0_all.at[j + NB2]], r1[b],
                             g1sem[b])
            pltpu.async_copy(h2_hbm.at[e1_all.at[j + NB2]], r2[b],
                             g2sem[b])

    def pass_fn(p, carry):
        pltpu.sync_copy(e04_hbm.at[w, p], e0_all)
        pltpu.sync_copy(e14_hbm.at[w, p], e1_all)
        for b in range(NB2):
            pltpu.async_copy(h_hbm.at[e0_all.at[b]], r1[b], g1sem[b])
            pltpu.async_copy(h2_hbm.at[e1_all.at[b]], r2[b], g2sem[b])

        def grp(g, carry2):
            for b in range(NB2):
                slot(p, g * NB2 + b, b)
            return carry2

        lax.fori_loop(0, CPPA // NB2, grp, 0)
        slot(p, CPPA - 1, 0)
        return carry

    lax.fori_loop(0, NPASS, pass_fn, 0)
    for par in range(2):
        pltpu.make_async_copy(acc[par],
                              out_hbm.at[pl.ds(ebase * L, CAA * L)],
                              osem[par]).wait()



def _tc3_body(p_ref, b_ref, o_ref):
    i = lax.broadcasted_iota(jnp.int32, (D, 8), 0)
    j = lax.broadcasted_iota(jnp.int32, (D, 8), 1)
    sel = (i // L == j).astype(jnp.float32)
    o_ref[...] = jnp.dot(p_ref[...], sel,
                         preferred_element_type=jnp.float32) + b_ref[...]


def _tc3(psum, b_bil):
    return pl.pallas_call(
        _tc3_body,
        out_shape=jax.ShapeDtypeStruct((E // 8, 8), jnp.float32),
    )(psum, b_bil)



def kernel(x_input, edge_index_input, pos_edge_index_input,
           W_in, b_in, W_l, b_l, W_r, W_bil, b_bil):
    e0 = edge_index_input[0].astype(jnp.int32)
    e1 = edge_index_input[1].astype(jnp.int32)
    src = pos_edge_index_input[0].astype(jnp.int32)
    dst = pos_edge_index_input[1].astype(jnp.int32)

    y, z = _tc1(x_input, W_in.T, b_in.reshape(1, D), W_l.T, W_r.T)

    aggp, cntp = _sc_segment_sum(y,
                                 src.reshape(NW, NPASS, CPPA, CAA),
                                 dst.reshape(NW, NPASS, CPPA, CAA),
                                 jnp.zeros((NPAD, D), jnp.float32),
                                 jnp.ones((CAA, D), jnp.float32))

    h, h2 = _tc2(aggp, cntp, z, b_l.reshape(1, D), W_bil.reshape(D, D).T)

    psum = _sc_edge_dots(h, h2,
                         e0.reshape(NW, NPASS, CPPA, CAA),
                         e1.reshape(NW, NPASS, CPPA, CAA))
    out8 = _tc3(psum.reshape(E // 8, D), b_bil.reshape(1, 1))
    return out8.reshape(E)

# --- scband reference (transcript-rebuilt; emitter-appended) ---
"""Pipeline reference for scband-gnn-sageconv-homogen-71073118814466 (READ-ONLY COPY).

The authoritative reference and input builder live on the scoring server;
editing this copy changes nothing except your own understanding.
"""

import jax, jax.numpy as jnp
import numpy as np

N_NODES = 10000
D = 128
N_EDGES = 320000


def setup_inputs(seed: int = 0) -> dict:
    key = jax.random.key(seed)
    ks = jax.random.split(key, 12)
    x_input = jax.random.normal(ks[0], (N_NODES, D), dtype=jnp.float32)
    edge_index_input = jax.random.randint(ks[1], (2, N_EDGES), 0, N_NODES, dtype=jnp.int64)
    pos_edge_index_input = jax.random.randint(ks[2], (2, N_EDGES), 0, N_NODES, dtype=jnp.int64)
    s = 1.0 / np.sqrt(D)
    # input_weighting: Linear(D, D)
    W_in = jax.random.uniform(ks[3], (D, D), jnp.float32, -s, s)
    b_in = jax.random.uniform(ks[4], (D,), jnp.float32, -s, s)
    # SAGEConv(D, D): lin_l (neighbor, with bias), lin_r (root, no bias)
    W_l = jax.random.uniform(ks[5], (D, D), jnp.float32, -s, s)
    b_l = jax.random.uniform(ks[6], (D,), jnp.float32, -s, s)
    W_r = jax.random.uniform(ks[7], (D, D), jnp.float32, -s, s)
    # Bilinear(D, D, 1): weight [1, D, D], bias [1]
    W_bil = jax.random.uniform(ks[8], (1, D, D), jnp.float32, -s, s)
    b_bil = jax.random.uniform(ks[9], (1,), jnp.float32, -s, s)
    return {
        "x_input": x_input,
        "edge_index_input": edge_index_input,
        "pos_edge_index_input": pos_edge_index_input,
        "W_in": W_in, "b_in": b_in,
        "W_l": W_l, "b_l": b_l, "W_r": W_r,
        "W_bil": W_bil, "b_bil": b_bil,
    }


def reference(x_input, edge_index_input, pos_edge_index_input,
              W_in, b_in, W_l, b_l, W_r, W_bil, b_bil):
    # input weighting
    x = x_input @ W_in.T + b_in
    # SAGEConv with mean aggregation (PyG default):
    # out = lin_l(mean_{j in N(i)} x_j) + lin_r(x_i)
    src = pos_edge_index_input[0]
    dst = pos_edge_index_input[1]
    n = x.shape[0]
    agg = jax.ops.segment_sum(x[src], dst, num_segments=n)
    cnt = jax.ops.segment_sum(jnp.ones(src.shape[0], dtype=x.dtype), dst, num_segments=n)
    mean = agg / jnp.clip(cnt, 1.0, None)[:, None]
    h = mean @ W_l.T + b_l + x @ W_r.T
    # Bilinear link scoring on edge_index_input pairs
    x1 = h[edge_index_input[0]]
    x2 = h[edge_index_input[1]]
    out = jnp.einsum('ei,kij,ej->ek', x1, W_bil, x2) + b_bil
    # flatten(0, -1)
    return out.reshape(-1)

if __name__ == "__main__":
    import jax
    _d = setup_inputs()
    print(jax.jit(kernel)(*tuple(_d.values())))

</pallas_src>

<mosaic_0001>
#map = affine_map<(d0, d1) -> (0, 0)>
#map1 = affine_map<(d0, d1) -> (0, 0, 0, 0)>
#map2 = affine_map<(d0, d1) -> (0)>
module attributes {stable_mosaic.version = 14 : i64} {
  func.func @_sc_edge_dots(%arg0: i32, %arg1: i32, %arg2: memref<10000x128xf32, #tpu.memory_space<hbm>>, %arg3: memref<10000x128xf32, #tpu.memory_space<hbm>>, %arg4: memref<32x5x25x80xi32, #tpu.memory_space<hbm>>, %arg5: memref<32x5x25x80xi32, #tpu.memory_space<hbm>>, %arg6: memref<5120000xf32, #tpu.memory_space<hbm>>, %arg7: memref<25x80xi32, #tpu.memory_space<vmem>>, %arg8: memref<25x80xi32, #tpu.memory_space<vmem>>, %arg9: memref<80x128xf32, #tpu.memory_space<vmem>>, %arg10: memref<80x128xf32, #tpu.memory_space<vmem>>, %arg11: memref<80x128xf32, #tpu.memory_space<vmem>>, %arg12: memref<80x128xf32, #tpu.memory_space<vmem>>, %arg13: memref<1280xf32, #tpu.memory_space<vmem>>, %arg14: memref<1280xf32, #tpu.memory_space<vmem>>, %arg15: memref<!tpu.dma_semaphore, #tpu.memory_space<semaphore_mem>>, %arg16: memref<!tpu.dma_semaphore, #tpu.memory_space<semaphore_mem>>, %arg17: memref<!tpu.dma_semaphore, #tpu.memory_space<semaphore_mem>>, %arg18: memref<!tpu.dma_semaphore, #tpu.memory_space<semaphore_mem>>, %arg19: memref<!tpu.dma_semaphore, #tpu.memory_space<semaphore_mem>>, %arg20: memref<!tpu.dma_semaphore, #tpu.memory_space<semaphore_mem>>) attributes {dimension_semantics = [#tpu.dimension_semantics<core_parallel>, #tpu.dimension_semantics<subcore_parallel>], iteration_bounds = array<i64: 2, 16>, scalar_prefetch = 0 : i64, scratch_operands = 14 : i64, tpu.core_type = #tpu.core_type<sc_vector_subcore>, window_params = [{transform_indices = #map}, {transform_indices = #map}, {transform_indices = #map1}, {transform_indices = #map1}, {transform_indices = #map2}]} {
    %mul3A = arith.constant 16 : i32
    %mul3A_0 = arith.muli %arg0, %mul3A : i32
    %add3A = arith.addi %mul3A_0, %arg1 : i32
    %mul3A_1 = arith.constant 10000 : i32
    %mul3A_2 = arith.muli %add3A, %mul3A_1 : i32
    %scan3A = arith.constant 0 : i32
    %scan3A_3 = arith.constant 0 : i32
    %scan3A_4 = arith.constant 5 : i32
    %scan3A_5 = arith.addi %scan3A_3, %scan3A_4 : i32
    %scan3A_6 = arith.constant 1 : i32
    scf.for %scan3A_15 = %scan3A_3 to %scan3A_5 step %scan3A_6  : i32 {
      "tpu.region"() ({
        %run_scoped3A = tpu.sem_alloc : memref<!tpu.dma_semaphore, #tpu.memory_space<semaphore_mem>>
        %dma_start3A_82 = arith.constant 0 : i32
        %dma_start3A_83 = arith.constant 0 : i32
        %dma_start3A_84 = tpu.memref_slice %arg4[%add3A, %scan3A_15, %dma_start3A_82, %dma_start3A_83] : memref<32x5x25x80xi32, #tpu.memory_space<hbm>> -> memref<1x1x25x80xi32, #tpu.memory_space<hbm>>
        %dma_start3A_85 = tpu.memref_squeeze %dma_start3A_84 : memref<1x1x25x80xi32, #tpu.memory_space<hbm>> -> memref<25x80xi32, #tpu.memory_space<hbm>>
        %dma_start3A_86 = arith.constant 0 : i32
        %dma_start3A_87 = arith.constant 0 : i32
        %dma_start3A_88 = tpu.memref_slice %arg4[%add3A, %scan3A_15, %dma_start3A_86, %dma_start3A_87] : memref<32x5x25x80xi32, #tpu.memory_space<hbm>> -> memref<1x1x25x80xi32, #tpu.memory_space<hbm>>
        %dma_start3A_89 = tpu.memref_squeeze %dma_start3A_88 : memref<1x1x25x80xi32, #tpu.memory_space<hbm>> -> memref<25x80xi32, #tpu.memory_space<hbm>>
        tpu.enqueue_dma source(%dma_start3A_89 : memref<25x80xi32, #tpu.memory_space<hbm>>) target(%arg7 : memref<25x80xi32, #tpu.memory_space<vmem>>) target_semaphore(%run_scoped3A : memref<!tpu.dma_semaphore, #tpu.memory_space<semaphore_mem>>)
        %dma_wait3A_90 = arith.constant 0 : i32
        %dma_wait3A_91 = arith.constant 0 : i32
        %dma_wait3A_92 = tpu.memref_slice %arg4[%add3A, %scan3A_15, %dma_wait3A_90, %dma_wait3A_91] : memref<32x5x25x80xi32, #tpu.memory_space<hbm>> -> memref<1x1x25x80xi32, #tpu.memory_space<hbm>>
        %dma_wait3A_93 = tpu.memref_squeeze %dma_wait3A_92 : memref<1x1x25x80xi32, #tpu.memory_space<hbm>> -> memref<25x80xi32, #tpu.memory_space<hbm>>
        %dma_wait3A_94 = arith.constant 0 : i32
        %dma_wait3A_95 = arith.constant 0 : i32
        %dma_wait3A_96 = tpu.memref_slice %arg4[%add3A, %scan3A_15, %dma_wait3A_94, %dma_wait3A_95] : memref<32x5x25x80xi32, #tpu.memory_space<hbm>> -> memref<1x1x25x80xi32, #tpu.memory_space<hbm>>
        %dma_wait3A_97 = tpu.memref_squeeze %dma_wait3A_96 : memref<1x1x25x80xi32, #tpu.memory_space<hbm>> -> memref<25x80xi32, #tpu.memory_space<hbm>>
        tpu.wait_dma2 semaphore(%run_scoped3A : memref<!tpu.dma_semaphore, #tpu.memory_space<semaphore_mem>>) src(%dma_wait3A_97 : memref<25x80xi32, #tpu.memory_space<hbm>>) dst(%arg7 : memref<25x80xi32, #tpu.memory_space<vmem>>)
        tpu.yield
      }) : () -> ()
      "tpu.region"() ({
        %run_scoped3A = tpu.sem_alloc : memref<!tpu.dma_semaphore, #tpu.memory_space<semaphore_mem>>
        %dma_start3A_82 = arith.constant 0 : i32
        %dma_start3A_83 = arith.constant 0 : i32
        %dma_start3A_84 = tpu.memref_slice %arg5[%add3A, %scan3A_15, %dma_start3A_82, %dma_start3A_83] : memref<32x5x25x80xi32, #tpu.memory_space<hbm>> -> memref<1x1x25x80xi32, #tpu.memory_space<hbm>>
        %dma_start3A_85 = tpu.memref_squeeze %dma_start3A_84 : memref<1x1x25x80xi32, #tpu.memory_space<hbm>> -> memref<25x80xi32, #tpu.memory_space<hbm>>
        %dma_start3A_86 = arith.constant 0 : i32
        %dma_start3A_87 = arith.constant 0 : i32
        %dma_start3A_88 = tpu.memref_slice %arg5[%add3A, %scan3A_15, %dma_start3A_86, %dma_start3A_87] : memref<32x5x25x80xi32, #tpu.memory_space<hbm>> -> memref<1x1x25x80xi32, #tpu.memory_space<hbm>>
        %dma_start3A_89 = tpu.memref_squeeze %dma_start3A_88 : memref<1x1x25x80xi32, #tpu.memory_space<hbm>> -> memref<25x80xi32, #tpu.memory_space<hbm>>
        tpu.enqueue_dma source(%dma_start3A_89 : memref<25x80xi32, #tpu.memory_space<hbm>>) target(%arg8 : memref<25x80xi32, #tpu.memory_space<vmem>>) target_semaphore(%run_scoped3A : memref<!tpu.dma_semaphore, #tpu.memory_space<semaphore_mem>>)
        %dma_wait3A_90 = arith.constant 0 : i32
        %dma_wait3A_91 = arith.constant 0 : i32
        %dma_wait3A_92 = tpu.memref_slice %arg5[%add3A, %scan3A_15, %dma_wait3A_90, %dma_wait3A_91] : memref<32x5x25x80xi32, #tpu.memory_space<hbm>> -> memref<1x1x25x80xi32, #tpu.memory_space<hbm>>
        %dma_wait3A_93 = tpu.memref_squeeze %dma_wait3A_92 : memref<1x1x25x80xi32, #tpu.memory_space<hbm>> -> memref<25x80xi32, #tpu.memory_space<hbm>>
        %dma_wait3A_94 = arith.constant 0 : i32
        %dma_wait3A_95 = arith.constant 0 : i32
        %dma_wait3A_96 = tpu.memref_slice %arg5[%add3A, %scan3A_15, %dma_wait3A_94, %dma_wait3A_95] : memref<32x5x25x80xi32, #tpu.memory_space<hbm>> -> memref<1x1x25x80xi32, #tpu.memory_space<hbm>>
        %dma_wait3A_97 = tpu.memref_squeeze %dma_wait3A_96 : memref<1x1x25x80xi32, #tpu.memory_space<hbm>> -> memref<25x80xi32, #tpu.memory_space<hbm>>
        tpu.wait_dma2 semaphore(%run_scoped3A : memref<!tpu.dma_semaphore, #tpu.memory_space<semaphore_mem>>) src(%dma_wait3A_97 : memref<25x80xi32, #tpu.memory_space<hbm>>) dst(%arg8 : memref<25x80xi32, #tpu.memory_space<vmem>>)
        tpu.yield
      }) : () -> ()
      %dma_start3A = arith.constant 0 : i32
      %dma_start3A_16 = arith.constant 0 : i32
      %dma_start3A_17 = tpu.memref_slice %arg7[%dma_start3A, %dma_start3A_16] : memref<25x80xi32, #tpu.memory_space<vmem>> -> memref<1x80xi32, #tpu.memory_space<vmem>>
      %dma_start3A_18 = tpu.memref_squeeze %dma_start3A_17 : memref<1x80xi32, #tpu.memory_space<vmem>> -> memref<80xi32, #tpu.memory_space<vmem>>
      %dma_start3A_19 = arith.constant 0 : i32
      %dma_start3A_20 = arith.constant 0 : i32
      %dma_start3A_21 = tpu.memref_slice %arg2[%dma_start3A_19, %dma_start3A_20] : memref<10000x128xf32, #tpu.memory_space<hbm>> -> memref<10000x128xf32, #tpu.memory_space<hbm>>
      tpu.enqueue_indirect_dma source(%dma_start3A_21 : memref<10000x128xf32, #tpu.memory_space<hbm>>) target(%arg9 : memref<80x128xf32, #tpu.memory_space<vmem>>) offsets(%dma_start3A_18 : memref<80xi32, #tpu.memory_space<vmem>>) semaphore(%arg15 : memref<!tpu.dma_semaphore, #tpu.memory_space<semaphore_mem>>)
      %dma_start3A_22 = arith.constant 0 : i32
      %dma_start3A_23 = arith.constant 0 : i32
      %dma_start3A_24 = tpu.memref_slice %arg8[%dma_start3A_22, %dma_start3A_23] : memref<25x80xi32, #tpu.memory_space<vmem>> -> memref<1x80xi32, #tpu.memory_space<vmem>>
      %dma_start3A_25 = tpu.memref_squeeze %dma_start3A_24 : memref<1x80xi32, #tpu.memory_space<vmem>> -> memref<80xi32, #tpu.memory_space<vmem>>
      %dma_start3A_26 = arith.constant 0 : i32
      %dma_start3A_27 = arith.constant 0 : i32
      %dma_start3A_28 = tpu.memref_slice %arg3[%dma_start3A_26, %dma_start3A_27] : memref<10000x128xf32, #tpu.memory_space<hbm>> -> memref<10000x128xf32, #tpu.memory_space<hbm>>
      tpu.enqueue_indirect_dma source(%dma_start3A_28 : memref<10000x128xf32, #tpu.memory_space<hbm>>) target(%arg11 : memref<80x128xf32, #tpu.memory_space<vmem>>) offsets(%dma_start3A_25 : memref<80xi32, #tpu.memory_space<vmem>>) semaphore(%arg17 : memref<!tpu.dma_semaphore, #tpu.memory_space<semaphore_mem>>)
      %dma_start3A_29 = arith.constant 1 : i32
      %dma_start3A_30 = arith.constant 0 : i32
      %dma_start3A_31 = tpu.memref_slice %arg7[%dma_start3A_29, %dma_start3A_30] : memref<25x80xi32, #tpu.memory_space<vmem>> -> memref<1x80xi32, #tpu.memory_space<vmem>>
      %dma_start3A_32 = tpu.memref_squeeze %dma_start3A_31 : memref<1x80xi32, #tpu.memory_space<vmem>> -> memref<80xi32, #tpu.memory_space<vmem>>
      %dma_start3A_33 = arith.constant 0 : i32
      %dma_start3A_34 = arith.constant 0 : i32
      %dma_start3A_35 = tpu.memref_slice %arg2[%dma_start3A_33, %dma_start3A_34] : memref<10000x128xf32, #tpu.memory_space<hbm>> -> memref<10000x128xf32, #tpu.memory_space<hbm>>
      tpu.enqueue_indirect_dma source(%dma_start3A_35 : memref<10000x128xf32, #tpu.memory_space<hbm>>) target(%arg10 : memref<80x128xf32, #tpu.memory_space<vmem>>) offsets(%dma_start3A_32 : memref<80xi32, #tpu.memory_space<vmem>>) semaphore(%arg16 : memref<!tpu.dma_semaphore, #tpu.memory_space<semaphore_mem>>)
      %dma_start3A_36 = arith.constant 1 : i32
      %dma_start3A_37 = arith.constant 0 : i32
      %dma_start3A_38 = tpu.memref_slice %arg8[%dma_start3A_36, %dma_start3A_37] : memref<25x80xi32, #tpu.memory_space<vmem>> -> memref<1x80xi32, #tpu.memory_space<vmem>>
      %dma_start3A_39 = tpu.memref_squeeze %dma_start3A_38 : memref<1x80xi32, #tpu.memory_space<vmem>> -> memref<80xi32, #tpu.memory_space<vmem>>
      %dma_start3A_40 = arith.constant 0 : i32
      %dma_start3A_41 = arith.constant 0 : i32
      %dma_start3A_42 = tpu.memref_slice %arg3[%dma_start3A_40, %dma_start3A_41] : memref<10000x128xf32, #tpu.memory_space<hbm>> -> memref<10000x128xf32, #tpu.memory_space<hbm>>
      tpu.enqueue_indirect_dma source(%dma_start3A_42 : memref<10000x128xf32, #tpu.memory_space<hbm>>) target(%arg12 : memref<80x128xf32, #tpu.memory_space<vmem>>) offsets(%dma_start3A_39 : memref<80xi32, #tpu.memory_space<vmem>>) semaphore(%arg18 : memref<!tpu.dma_semaphore, #tpu.memory_space<semaphore_mem>>)
      %scan3A_43 = arith.constant 0 : i32
      %scan3A_44 = arith.constant 0 : i32
      %scan3A_45 = arith.constant 12 : i32
      %scan3A_46 = arith.addi %scan3A_44, %scan3A_45 : i32
      %scan3A_47 = arith.constant 1 : i32
      scf.for %scan3A_82 = %scan3A_44 to %scan3A_46 step %scan3A_47  : i32 {
        %mul3A_83 = arith.constant 2 : i32
        %mul3A_84 = arith.muli %scan3A_82, %mul3A_83 : i32
        %add3A_85 = arith.constant 0 : i32
        %add3A_86 = arith.addi %mul3A_84, %add3A_85 : i32
        %mul3A_87 = arith.constant 25 : i32
        %mul3A_88 = arith.muli %scan3A_15, %mul3A_87 : i32
        %add3A_89 = arith.addi %mul3A_88, %add3A_86 : i32
        %mul3A_90 = arith.constant 80 : i32
        %mul3A_91 = arith.muli %add3A_89, %mul3A_90 : i32
        %add3A_92 = arith.addi %mul3A_2, %mul3A_91 : i32
        %dma_wait3A_93 = arith.constant 0 : i32
        %dma_wait3A_94 = tpu.memref_slice %arg7[%add3A_86, %dma_wait3A_93] : memref<25x80xi32, #tpu.memory_space<vmem>> -> memref<1x80xi32, #tpu.memory_space<vmem>>
        %dma_wait3A_95 = tpu.memref_squeeze %dma_wait3A_94 : memref<1x80xi32, #tpu.memory_space<vmem>> -> memref<80xi32, #tpu.memory_space<vmem>>
        %dma_wait3A_96 = arith.constant 0 : i32
        %dma_wait3A_97 = arith.constant 0 : i32
        %dma_wait3A_98 = tpu.memref_slice %arg2[%dma_wait3A_96, %dma_wait3A_97] : memref<10000x128xf32, #tpu.memory_space<hbm>> -> memref<10000x128xf32, #tpu.memory_space<hbm>>
        tpu.wait_indirect_dma semaphore(%arg15 : memref<!tpu.dma_semaphore, #tpu.memory_space<semaphore_mem>>) src(%dma_wait3A_98 : memref<10000x128xf32, #tpu.memory_space<hbm>>) dst(%arg9 : memref<80x128xf32, #tpu.memory_space<vmem>>)
        %dma_wait3A_99 = arith.constant 0 : i32
        %dma_wait3A_100 = tpu.memref_slice %arg8[%add3A_86, %dma_wait3A_99] : memref<25x80xi32, #tpu.memory_space<vmem>> -> memref<1x80xi32, #tpu.memory_space<vmem>>
        %dma_wait3A_101 = tpu.memref_squeeze %dma_wait3A_100 : memref<1x80xi32, #tpu.memory_space<vmem>> -> memref<80xi32, #tpu.memory_space<vmem>>
        %dma_wait3A_102 = arith.constant 0 : i32
        %dma_wait3A_103 = arith.constant 0 : i32
        %dma_wait3A_104 = tpu.memref_slice %arg3[%dma_wait3A_102, %dma_wait3A_103] : memref<10000x128xf32, #tpu.memory_space<hbm>> -> memref<10000x128xf32, #tpu.memory_space<hbm>>
        tpu.wait_indirect_dma semaphore(%arg17 : memref<!tpu.dma_semaphore, #tpu.memory_space<semaphore_mem>>) src(%dma_wait3A_104 : memref<10000x128xf32, #tpu.memory_space<hbm>>) dst(%arg11 : memref<80x128xf32, #tpu.memory_space<vmem>>)
        %ge3A_105 = arith.constant 2 : i32
        %ge3A_106 = arith.cmpi sge, %add3A_89, %ge3A_105 : i32
        %convert_element_type3A_107 = arith.extui %ge3A_106 : i1 to i32
        %cond3A_108 = arith.constant 0 : i32
        %cond3A_109 = arith.cmpi ne, %convert_element_type3A_107, %cond3A_108 : i32
        scf.if %cond3A_109 {
          %mul3A_170 = arith.constant 16 : i32
          %mul3A_171 = arith.muli %add3A_92, %mul3A_170 : i32
          %dma_wait3A_172 = tpu.memref_slice %arg6[%mul3A_171] : memref<5120000xf32, #tpu.memory_space<hbm>> -> memref<1280xf32, #tpu.memory_space<hbm>>
          %dma_wait3A_173 = tpu.memref_slice %arg6[%mul3A_171] : memref<5120000xf32, #tpu.memory_space<hbm>> -> memref<1280xf32, #tpu.memory_space<hbm>>
          tpu.wait_dma2 semaphore(%arg19 : memref<!tpu.dma_semaphore, #tpu.memory_space<semaphore_mem>>) src(%arg13 : memref<1280xf32, #tpu.memory_space<vmem>>) dst(%dma_wait3A_173 : memref<1280xf32, #tpu.memory_space<hbm>>)
        } else {
        }
        %scan3A_110 = arith.constant 0 : i32
        %scan3A_111 = arith.constant 0 : i32
        %scan3A_112 = arith.constant 80 : i32
        %scan3A_113 = arith.addi %scan3A_111, %scan3A_112 : i32
        %scan3A_114 = arith.constant 1 : i32
        scf.for %scan3A_170 = %scan3A_111 to %scan3A_113 step %scan3A_114  : i32 {
          %get3A = arith.index_cast %scan3A_170 : i32 to index
          %get3A_171 = arith.constant 0 : index
          %get3A_172 = tpu.vector_load %arg9[%get3A, %get3A_171] {strides = array<i32>} : memref<80x128xf32, #tpu.memory_space<vmem>>, vector<1x16xf32>,
          %get3A_173 = vector.shape_cast %get3A_172 : vector<1x16xf32> to vector<16xf32>
          %get3A_174 = arith.index_cast %scan3A_170 : i32 to index
          %get3A_175 = arith.constant 0 : index
          %get3A_176 = tpu.vector_load %arg11[%get3A_174, %get3A_175] {strides = array<i32>} : memref<80x128xf32, #tpu.memory_space<vmem>>, vector<1x16xf32>,
          %get3A_177 = vector.shape_cast %get3A_176 : vector<1x16xf32> to vector<16xf32>
          %mul3A_178 = arith.mulf %get3A_173, %get3A_177 : vector<16xf32>
          %get3A_179 = arith.index_cast %scan3A_170 : i32 to index
          %get3A_180 = arith.constant 16 : index
          %get3A_181 = tpu.vector_load %arg9[%get3A_179, %get3A_180] {strides = array<i32>} : memref<80x128xf32, #tpu.memory_space<vmem>>, vector<1x16xf32>,
          %get3A_182 = vector.shape_cast %get3A_181 : vector<1x16xf32> to vector<16xf32>
          %get3A_183 = arith.index_cast %scan3A_170 : i32 to index
          %get3A_184 = arith.constant 16 : index
          %get3A_185 = tpu.vector_load %arg11[%get3A_183, %get3A_184] {strides = array<i32>} : memref<80x128xf32, #tpu.memory_space<vmem>>, vector<1x16xf32>,
          %get3A_186 = vector.shape_cast %get3A_185 : vector<1x16xf32> to vector<16xf32>
          %mul3A_187 = arith.mulf %get3A_182, %get3A_186 : vector<16xf32>
          %add3A_188 = arith.addf %mul3A_178, %mul3A_187 : vector<16xf32>
          %get3A_189 = arith.index_cast %scan3A_170 : i32 to index
          %get3A_190 = arith.constant 32 : index
          %get3A_191 = tpu.vector_load %arg9[%get3A_189, %get3A_190] {strides = array<i32>} : memref<80x128xf32, #tpu.memory_space<vmem>>, vector<1x16xf32>,
          %get3A_192 = vector.shape_cast %get3A_191 : vector<1x16xf32> to vector<16xf32>
          %get3A_193 = arith.index_cast %scan3A_170 : i32 to index
          %get3A_194 = arith.constant 32 : index
          %get3A_195 = tpu.vector_load %arg11[%get3A_193, %get3A_194] {strides = array<i32>} : memref<80x128xf32, #tpu.memory_space<vmem>>, vector<1x16xf32>,
          %get3A_196 = vector.shape_cast %get3A_195 : vector<1x16xf32> to vector<16xf32>
          %mul3A_197 = arith.mulf %get3A_192, %get3A_196 : vector<16xf32>
          %add3A_198 = arith.addf %add3A_188, %mul3A_197 : vector<16xf32>
          %get3A_199 = arith.index_cast %scan3A_170 : i32 to index
          %get3A_200 = arith.constant 48 : index
          %get3A_201 = tpu.vector_load %arg9[%get3A_199, %get3A_200] {strides = array<i32>} : memref<80x128xf32, #tpu.memory_space<vmem>>, vector<1x16xf32>,
          %get3A_202 = vector.shape_cast %get3A_201 : vector<1x16xf32> to vector<16xf32>
          %get3A_203 = arith.index_cast %scan3A_170 : i32 to index
          %get3A_204 = arith.constant 48 : index
          %get3A_205 = tpu.vector_load %arg11[%get3A_203, %get3A_204] {strides = array<i32>} : memref<80x128xf32, #tpu.memory_space<vmem>>, vector<1x16xf32>,
          %get3A_206 = vector.shape_cast %get3A_205 : vector<1x16xf32> to vector<16xf32>
          %mul3A_207 = arith.mulf %get3A_202, %get3A_206 : vector<16xf32>
          %add3A_208 = arith.addf %add3A_198, %mul3A_207 : vector<16xf32>
          %get3A_209 = arith.index_cast %scan3A_170 : i32 to index
          %get3A_210 = arith.constant 64 : index
          %get3A_211 = tpu.vector_load %arg9[%get3A_209, %get3A_210] {strides = array<i32>} : memref<80x128xf32, #tpu.memory_space<vmem>>, vector<1x16xf32>,
          %get3A_212 = vector.shape_cast %get3A_211 : vector<1x16xf32> to vector<16xf32>
          %get3A_213 = arith.index_cast %scan3A_170 : i32 to index
          %get3A_214 = arith.constant 64 : index
          %get3A_215 = tpu.vector_load %arg11[%get3A_213, %get3A_214] {strides = array<i32>} : memref<80x128xf32, #tpu.memory_space<vmem>>, vector<1x16xf32>,
          %get3A_216 = vector.shape_cast %get3A_215 : vector<1x16xf32> to vector<16xf32>
          %mul3A_217 = arith.mulf %get3A_212, %get3A_216 : vector<16xf32>
          %add3A_218 = arith.addf %add3A_208, %mul3A_217 : vector<16xf32>
          %get3A_219 = arith.index_cast %scan3A_170 : i32 to index
          %get3A_220 = arith.constant 80 : index
          %get3A_221 = tpu.vector_load %arg9[%get3A_219, %get3A_220] {strides = array<i32>} : memref<80x128xf32, #tpu.memory_space<vmem>>, vector<1x16xf32>,
          %get3A_222 = vector.shape_cast %get3A_221 : vector<1x16xf32> to vector<16xf32>
          %get3A_223 = arith.index_cast %scan3A_170 : i32 to index
          %get3A_224 = arith.constant 80 : index
          %get3A_225 = tpu.vector_load %arg11[%get3A_223, %get3A_224] {strides = array<i32>} : memref<80x128xf32, #tpu.memory_space<vmem>>, vector<1x16xf32>,
          %get3A_226 = vector.shape_cast %get3A_225 : vector<1x16xf32> to vector<16xf32>
          %mul3A_227 = arith.mulf %get3A_222, %get3A_226 : vector<16xf32>
          %add3A_228 = arith.addf %add3A_218, %mul3A_227 : vector<16xf32>
          %get3A_229 = arith.index_cast %scan3A_170 : i32 to index
          %get3A_230 = arith.constant 96 : index
          %get3A_231 = tpu.vector_load %arg9[%get3A_229, %get3A_230] {strides = array<i32>} : memref<80x128xf32, #tpu.memory_space<vmem>>, vector<1x16xf32>,
          %get3A_232 = vector.shape_cast %get3A_231 : vector<1x16xf32> to vector<16xf32>
          %get3A_233 = arith.index_cast %scan3A_170 : i32 to index
          %get3A_234 = arith.constant 96 : index
          %get3A_235 = tpu.vector_load %arg11[%get3A_233, %get3A_234] {strides = array<i32>} : memref<80x128xf32, #tpu.memory_space<vmem>>, vector<1x16xf32>,
          %get3A_236 = vector.shape_cast %get3A_235 : vector<1x16xf32> to vector<16xf32>
          %mul3A_237 = arith.mulf %get3A_232, %get3A_236 : vector<16xf32>
          %add3A_238 = arith.addf %add3A_228, %mul3A_237 : vector<16xf32>
          %get3A_239 = arith.index_cast %scan3A_170 : i32 to index
          %get3A_240 = arith.constant 112 : index
          %get3A_241 = tpu.vector_load %arg9[%get3A_239, %get3A_240] {strides = array<i32>} : memref<80x128xf32, #tpu.memory_space<vmem>>, vector<1x16xf32>,
          %get3A_242 = vector.shape_cast %get3A_241 : vector<1x16xf32> to vector<16xf32>
          %get3A_243 = arith.index_cast %scan3A_170 : i32 to index
          %get3A_244 = arith.constant 112 : index
          %get3A_245 = tpu.vector_load %arg11[%get3A_243, %get3A_244] {strides = array<i32>} : memref<80x128xf32, #tpu.memory_space<vmem>>, vector<1x16xf32>,
          %get3A_246 = vector.shape_cast %get3A_245 : vector<1x16xf32> to vector<16xf32>
          %mul3A_247 = arith.mulf %get3A_242, %get3A_246 : vector<16xf32>
          %add3A_248 = arith.addf %add3A_238, %mul3A_247 : vector<16xf32>
          %mul3A_249 = arith.constant 16 : i32
          %mul3A_250 = arith.muli %scan3A_170, %mul3A_249 : i32
          %swap3A = arith.index_cast %mul3A_250 : i32 to index
          %swap3A_251 = tpu.vector_load %arg13[%swap3A] {strides = array<i32>} : memref<1280xf32, #tpu.memory_space<vmem>>, vector<16xf32>,
          %swap3A_252 = vector.shape_cast %swap3A_251 : vector<16xf32> to vector<16xf32>
          %swap3A_253 = vector.shape_cast %add3A_248 : vector<16xf32> to vector<16xf32>
          tpu.vector_store %arg13[%swap3A], %swap3A_253 {strides = array<i32>} : memref<1280xf32, #tpu.memory_space<vmem>>, vector<16xf32>,
        }
        %scan3A_115 = arith.constant 80 : i32
        %mul3A_116 = arith.constant 16 : i32
        %mul3A_117 = arith.muli %add3A_92, %mul3A_116 : i32
        %dma_start3A_118 = tpu.memref_slice %arg6[%mul3A_117] : memref<5120000xf32, #tpu.memory_space<hbm>> -> memref<1280xf32, #tpu.memory_space<hbm>>
        %dma_start3A_119 = tpu.memref_slice %arg6[%mul3A_117] : memref<5120000xf32, #tpu.memory_space<hbm>> -> memref<1280xf32, #tpu.memory_space<hbm>>
        tpu.enqueue_dma source(%arg13 : memref<1280xf32, #tpu.memory_space<vmem>>) target(%dma_start3A_119 : memref<1280xf32, #tpu.memory_space<hbm>>) target_semaphore(%arg19 : memref<!tpu.dma_semaphore, #tpu.memory_space<semaphore_mem>>)
        %add3A_120 = arith.constant 2 : i32
        %add3A_121 = arith.addi %add3A_86, %add3A_120 : i32
        %lt3A = arith.constant 25 : i32
        %lt3A_122 = arith.cmpi slt, %add3A_121, %lt3A : i32
        %convert_element_type3A_123 = arith.extui %lt3A_122 : i1 to i32
        %cond3A_124 = arith.constant 0 : i32
        %cond3A_125 = arith.cmpi ne, %convert_element_type3A_123, %cond3A_124 : i32
        scf.if %cond3A_125 {
          %add3A_170 = arith.constant 2 : i32
          %add3A_171 = arith.addi %add3A_86, %add3A_170 : i32
          %dma_start3A_172 = arith.constant 0 : i32
          %dma_start3A_173 = tpu.memref_slice %arg7[%add3A_171, %dma_start3A_172] : memref<25x80xi32, #tpu.memory_space<vmem>> -> memref<1x80xi32, #tpu.memory_space<vmem>>
          %dma_start3A_174 = tpu.memref_squeeze %dma_start3A_173 : memref<1x80xi32, #tpu.memory_space<vmem>> -> memref<80xi32, #tpu.memory_space<vmem>>
          %dma_start3A_175 = arith.constant 0 : i32
          %dma_start3A_176 = arith.constant 0 : i32
          %dma_start3A_177 = tpu.memref_slice %arg2[%dma_start3A_175, %dma_start3A_176] : memref<10000x128xf32, #tpu.memory_space<hbm>> -> memref<10000x128xf32, #tpu.memory_space<hbm>>
          tpu.enqueue_indirect_dma source(%dma_start3A_177 : memref<10000x128xf32, #tpu.memory_space<hbm>>) target(%arg9 : memref<80x128xf32, #tpu.memory_space<vmem>>) offsets(%dma_start3A_174 : memref<80xi32, #tpu.memory_space<vmem>>) semaphore(%arg15 : memref<!tpu.dma_semaphore, #tpu.memory_space<semaphore_mem>>)
          %add3A_178 = arith.constant 2 : i32
          %add3A_179 = arith.addi %add3A_86, %add3A_178 : i32
          %dma_start3A_180 = arith.constant 0 : i32
          %dma_start3A_181 = tpu.memref_slice %arg8[%add3A_179, %dma_start3A_180] : memref<25x80xi32, #tpu.memory_space<vmem>> -> memref<1x80xi32, #tpu.memory_space<vmem>>
          %dma_start3A_182 = tpu.memref_squeeze %dma_start3A_181 : memref<1x80xi32, #tpu.memory_space<vmem>> -> memref<80xi32, #tpu.memory_space<vmem>>
          %dma_start3A_183 = arith.constant 0 : i32
          %dma_start3A_184 = arith.constant 0 : i32
          %dma_start3A_185 = tpu.memref_slice %arg3[%dma_start3A_183, %dma_start3A_184] : memref<10000x128xf32, #tpu.memory_space<hbm>> -> memref<10000x128xf32, #tpu.memory_space<hbm>>
          tpu.enqueue_indirect_dma source(%dma_start3A_185 : memref<10000x128xf32, #tpu.memory_space<hbm>>) target(%arg11 : memref<80x128xf32, #tpu.memory_space<vmem>>) offsets(%dma_start3A_182 : memref<80xi32, #tpu.memory_space<vmem>>) semaphore(%arg17 : memref<!tpu.dma_semaphore, #tpu.memory_space<semaphore_mem>>)
        } else {
        }
        %mul3A_126 = arith.constant 2 : i32
        %mul3A_127 = arith.muli %scan3A_82, %mul3A_126 : i32
        %add3A_128 = arith.constant 1 : i32
        %add3A_129 = arith.addi %mul3A_127, %add3A_128 : i32
        %mul3A_130 = arith.constant 25 : i32
        %mul3A_131 = arith.muli %scan3A_15, %mul3A_130 : i32
        %add3A_132 = arith.addi %mul3A_131, %add3A_129 : i32
        %mul3A_133 = arith.constant 80 : i32
        %mul3A_134 = arith.muli %add3A_132, %mul3A_133 : i32
        %add3A_135 = arith.addi %mul3A_2, %mul3A_134 : i32
        %dma_wait3A_136 = arith.constant 0 : i32
        %dma_wait3A_137 = tpu.memref_slice %arg7[%add3A_129, %dma_wait3A_136] : memref<25x80xi32, #tpu.memory_space<vmem>> -> memref<1x80xi32, #tpu.memory_space<vmem>>
        %dma_wait3A_138 = tpu.memref_squeeze %dma_wait3A_137 : memref<1x80xi32, #tpu.memory_space<vmem>> -> memref<80xi32, #tpu.memory_space<vmem>>
        %dma_wait3A_139 = arith.constant 0 : i32
        %dma_wait3A_140 = arith.constant 0 : i32
        %dma_wait3A_141 = tpu.memref_slice %arg2[%dma_wait3A_139, %dma_wait3A_140] : memref<10000x128xf32, #tpu.memory_space<hbm>> -> memref<10000x128xf32, #tpu.memory_space<hbm>>
        tpu.wait_indirect_dma semaphore(%arg16 : memref<!tpu.dma_semaphore, #tpu.memory_space<semaphore_mem>>) src(%dma_wait3A_141 : memref<10000x128xf32, #tpu.memory_space<hbm>>) dst(%arg10 : memref<80x128xf32, #tpu.memory_space<vmem>>)
        %dma_wait3A_142 = arith.constant 0 : i32
        %dma_wait3A_143 = tpu.memref_slice %arg8[%add3A_129, %dma_wait3A_142] : memref<25x80xi32, #tpu.memory_space<vmem>> -> memref<1x80xi32, #tpu.memory_space<vmem>>
        %dma_wait3A_144 = tpu.memref_squeeze %dma_wait3A_143 : memref<1x80xi32, #tpu.memory_space<vmem>> -> memref<80xi32, #tpu.memory_space<vmem>>
        %dma_wait3A_145 = arith.constant 0 : i32
        %dma_wait3A_146 = arith.constant 0 : i32
        %dma_wait3A_147 = tpu.memref_slice %arg3[%dma_wait3A_145, %dma_wait3A_146] : memref<10000x128xf32, #tpu.memory_space<hbm>> -> memref<10000x128xf32, #tpu.memory_space<hbm>>
        tpu.wait_indirect_dma semaphore(%arg18 : memref<!tpu.dma_semaphore, #tpu.memory_space<semaphore_mem>>) src(%dma_wait3A_147 : memref<10000x128xf32, #tpu.memory_space<hbm>>) dst(%arg12 : memref<80x128xf32, #tpu.memory_space<vmem>>)
        %ge3A_148 = arith.constant 2 : i32
        %ge3A_149 = arith.cmpi sge, %add3A_132, %ge3A_148 : i32
        %convert_element_type3A_150 = arith.extui %ge3A_149 : i1 to i32
        %cond3A_151 = arith.constant 0 : i32
        %cond3A_152 = arith.cmpi ne, %convert_element_type3A_150, %cond3A_151 : i32
        scf.if %cond3A_152 {
          %mul3A_170 = arith.constant 16 : i32
          %mul3A_171 = arith.muli %add3A_135, %mul3A_170 : i32
          %dma_wait3A_172 = tpu.memref_slice %arg6[%mul3A_171] : memref<5120000xf32, #tpu.memory_space<hbm>> -> memref<1280xf32, #tpu.memory_space<hbm>>
          %dma_wait3A_173 = tpu.memref_slice %arg6[%mul3A_171] : memref<5120000xf32, #tpu.memory_space<hbm>> -> memref<1280xf32, #tpu.memory_space<hbm>>
          tpu.wait_dma2 semaphore(%arg20 : memref<!tpu.dma_semaphore, #tpu.memory_space<semaphore_mem>>) src(%arg14 : memref<1280xf32, #tpu.memory_space<vmem>>) dst(%dma_wait3A_173 : memref<1280xf32, #tpu.memory_space<hbm>>)
        } else {
        }
        %scan3A_153 = arith.constant 0 : i32
        %scan3A_154 = arith.constant 0 : i32
        %scan3A_155 = arith.constant 80 : i32
        %scan3A_156 = arith.addi %scan3A_154, %scan3A_155 : i32
        %scan3A_157 = arith.constant 1 : i32
        scf.for %scan3A_170 = %scan3A_154 to %scan3A_156 step %scan3A_157  : i32 {
          %get3A = arith.index_cast %scan3A_170 : i32 to index
          %get3A_171 = arith.constant 0 : index
          %get3A_172 = tpu.vector_load %arg10[%get3A, %get3A_171] {strides = array<i32>} : memref<80x128xf32, #tpu.memory_space<vmem>>, vector<1x16xf32>,
          %get3A_173 = vector.shape_cast %get3A_172 : vector<1x16xf32> to vector<16xf32>
          %get3A_174 = arith.index_cast %scan3A_170 : i32 to index
          %get3A_175 = arith.constant 0 : index
          %get3A_176 = tpu.vector_load %arg12[%get3A_174, %get3A_175] {strides = array<i32>} : memref<80x128xf32, #tpu.memory_space<vmem>>, vector<1x16xf32>,
          %get3A_177 = vector.shape_cast %get3A_176 : vector<1x16xf32> to vector<16xf32>
          %mul3A_178 = arith.mulf %get3A_173, %get3A_177 : vector<16xf32>
          %get3A_179 = arith.index_cast %scan3A_170 : i32 to index
          %get3A_180 = arith.constant 16 : index
          %get3A_181 = tpu.vector_load %arg10[%get3A_179, %get3A_180] {strides = array<i32>} : memref<80x128xf32, #tpu.memory_space<vmem>>, vector<1x16xf32>,
          %get3A_182 = vector.shape_cast %get3A_181 : vector<1x16xf32> to vector<16xf32>
          %get3A_183 = arith.index_cast %scan3A_170 : i32 to index
          %get3A_184 = arith.constant 16 : index
          %get3A_185 = tpu.vector_load %arg12[%get3A_183, %get3A_184] {strides = array<i32>} : memref<80x128xf32, #tpu.memory_space<vmem>>, vector<1x16xf32>,
          %get3A_186 = vector.shape_cast %get3A_185 : vector<1x16xf32> to vector<16xf32>
          %mul3A_187 = arith.mulf %get3A_182, %get3A_186 : vector<16xf32>
          %add3A_188 = arith.addf %mul3A_178, %mul3A_187 : vector<16xf32>
          %get3A_189 = arith.index_cast %scan3A_170 : i32 to index
          %get3A_190 = arith.constant 32 : index
          %get3A_191 = tpu.vector_load %arg10[%get3A_189, %get3A_190] {strides = array<i32>} : memref<80x128xf32, #tpu.memory_space<vmem>>, vector<1x16xf32>,
          %get3A_192 = vector.shape_cast %get3A_191 : vector<1x16xf32> to vector<16xf32>
          %get3A_193 = arith.index_cast %scan3A_170 : i32 to index
          %get3A_194 = arith.constant 32 : index
          %get3A_195 = tpu.vector_load %arg12[%get3A_193, %get3A_194] {strides = array<i32>} : memref<80x128xf32, #tpu.memory_space<vmem>>, vector<1x16xf32>,
          %get3A_196 = vector.shape_cast %get3A_195 : vector<1x16xf32> to vector<16xf32>
          %mul3A_197 = arith.mulf %get3A_192, %get3A_196 : vector<16xf32>
          %add3A_198 = arith.addf %add3A_188, %mul3A_197 : vector<16xf32>
          %get3A_199 = arith.index_cast %scan3A_170 : i32 to index
          %get3A_200 = arith.constant 48 : index
          %get3A_201 = tpu.vector_load %arg10[%get3A_199, %get3A_200] {strides = array<i32>} : memref<80x128xf32, #tpu.memory_space<vmem>>, vector<1x16xf32>,
          %get3A_202 = vector.shape_cast %get3A_201 : vector<1x16xf32> to vector<16xf32>
          %get3A_203 = arith.index_cast %scan3A_170 : i32 to index
          %get3A_204 = arith.constant 48 : index
          %get3A_205 = tpu.vector_load %arg12[%get3A_203, %get3A_204] {strides = array<i32>} : memref<80x128xf32, #tpu.memory_space<vmem>>, vector<1x16xf32>,
          %get3A_206 = vector.shape_cast %get3A_205 : vector<1x16xf32> to vector<16xf32>
          %mul3A_207 = arith.mulf %get3A_202, %get3A_206 : vector<16xf32>
          %add3A_208 = arith.addf %add3A_198, %mul3A_207 : vector<16xf32>
          %get3A_209 = arith.index_cast %scan3A_170 : i32 to index
          %get3A_210 = arith.constant 64 : index
          %get3A_211 = tpu.vector_load %arg10[%get3A_209, %get3A_210] {strides = array<i32>} : memref<80x128xf32, #tpu.memory_space<vmem>>, vector<1x16xf32>,
          %get3A_212 = vector.shape_cast %get3A_211 : vector<1x16xf32> to vector<16xf32>
          %get3A_213 = arith.index_cast %scan3A_170 : i32 to index
          %get3A_214 = arith.constant 64 : index
          %get3A_215 = tpu.vector_load %arg12[%get3A_213, %get3A_214] {strides = array<i32>} : memref<80x128xf32, #tpu.memory_space<vmem>>, vector<1x16xf32>,
          %get3A_216 = vector.shape_cast %get3A_215 : vector<1x16xf32> to vector<16xf32>
          %mul3A_217 = arith.mulf %get3A_212, %get3A_216 : vector<16xf32>
          %add3A_218 = arith.addf %add3A_208, %mul3A_217 : vector<16xf32>
          %get3A_219 = arith.index_cast %scan3A_170 : i32 to index
          %get3A_220 = arith.constant 80 : index
          %get3A_221 = tpu.vector_load %arg10[%get3A_219, %get3A_220] {strides = array<i32>} : memref<80x128xf32, #tpu.memory_space<vmem>>, vector<1x16xf32>,
          %get3A_222 = vector.shape_cast %get3A_221 : vector<1x16xf32> to vector<16xf32>
          %get3A_223 = arith.index_cast %scan3A_170 : i32 to index
          %get3A_224 = arith.constant 80 : index
          %get3A_225 = tpu.vector_load %arg12[%get3A_223, %get3A_224] {strides = array<i32>} : memref<80x128xf32, #tpu.memory_space<vmem>>, vector<1x16xf32>,
          %get3A_226 = vector.shape_cast %get3A_225 : vector<1x16xf32> to vector<16xf32>
          %mul3A_227 = arith.mulf %get3A_222, %get3A_226 : vector<16xf32>
          %add3A_228 = arith.addf %add3A_218, %mul3A_227 : vector<16xf32>
          %get3A_229 = arith.index_cast %scan3A_170 : i32 to index
          %get3A_230 = arith.constant 96 : index
          %get3A_231 = tpu.vector_load %arg10[%get3A_229, %get3A_230] {strides = array<i32>} : memref<80x128xf32, #tpu.memory_space<vmem>>, vector<1x16xf32>,
          %get3A_232 = vector.shape_cast %get3A_231 : vector<1x16xf32> to vector<16xf32>
          %get3A_233 = arith.index_cast %scan3A_170 : i32 to index
          %get3A_234 = arith.constant 96 : index
          %get3A_235 = tpu.vector_load %arg12[%get3A_233, %get3A_234] {strides = array<i32>} : memref<80x128xf32, #tpu.memory_space<vmem>>, vector<1x16xf32>,
          %get3A_236 = vector.shape_cast %get3A_235 : vector<1x16xf32> to vector<16xf32>
          %mul3A_237 = arith.mulf %get3A_232, %get3A_236 : vector<16xf32>
          %add3A_238 = arith.addf %add3A_228, %mul3A_237 : vector<16xf32>
          %get3A_239 = arith.index_cast %scan3A_170 : i32 to index
          %get3A_240 = arith.constant 112 : index
          %get3A_241 = tpu.vector_load %arg10[%get3A_239, %get3A_240] {strides = array<i32>} : memref<80x128xf32, #tpu.memory_space<vmem>>, vector<1x16xf32>,
          %get3A_242 = vector.shape_cast %get3A_241 : vector<1x16xf32> to vector<16xf32>
          %get3A_243 = arith.index_cast %scan3A_170 : i32 to index
          %get3A_244 = arith.constant 112 : index
          %get3A_245 = tpu.vector_load %arg12[%get3A_243, %get3A_244] {strides = array<i32>} : memref<80x128xf32, #tpu.memory_space<vmem>>, vector<1x16xf32>,
          %get3A_246 = vector.shape_cast %get3A_245 : vector<1x16xf32> to vector<16xf32>
          %mul3A_247 = arith.mulf %get3A_242, %get3A_246 : vector<16xf32>
          %add3A_248 = arith.addf %add3A_238, %mul3A_247 : vector<16xf32>
          %mul3A_249 = arith.constant 16 : i32
          %mul3A_250 = arith.muli %scan3A_170, %mul3A_249 : i32
          %swap3A = arith.index_cast %mul3A_250 : i32 to index
          %swap3A_251 = tpu.vector_load %arg14[%swap3A] {strides = array<i32>} : memref<1280xf32, #tpu.memory_space<vmem>>, vector<16xf32>,
          %swap3A_252 = vector.shape_cast %swap3A_251 : vector<16xf32> to vector<16xf32>
          %swap3A_253 = vector.shape_cast %add3A_248 : vector<16xf32> to vector<16xf32>
          tpu.vector_store %arg14[%swap3A], %swap3A_253 {strides = array<i32>} : memref<1280xf32, #tpu.memory_space<vmem>>, vector<16xf32>,
        }
        %scan3A_158 = arith.constant 80 : i32
        %mul3A_159 = arith.constant 16 : i32
        %mul3A_160 = arith.muli %add3A_135, %mul3A_159 : i32
        %dma_start3A_161 = tpu.memref_slice %arg6[%mul3A_160] : memref<5120000xf32, #tpu.memory_space<hbm>> -> memref<1280xf32, #tpu.memory_space<hbm>>
        %dma_start3A_162 = tpu.memref_slice %arg6[%mul3A_160] : memref<5120000xf32, #tpu.memory_space<hbm>> -> memref<1280xf32, #tpu.memory_space<hbm>>
        tpu.enqueue_dma source(%arg14 : memref<1280xf32, #tpu.memory_space<vmem>>) target(%dma_start3A_162 : memref<1280xf32, #tpu.memory_space<hbm>>) target_semaphore(%arg20 : memref<!tpu.dma_semaphore, #tpu.memory_space<semaphore_mem>>)
        %add3A_163 = arith.constant 2 : i32
        %add3A_164 = arith.addi %add3A_129, %add3A_163 : i32
        %lt3A_165 = arith.constant 25 : i32
        %lt3A_166 = arith.cmpi slt, %add3A_164, %lt3A_165 : i32
        %convert_element_type3A_167 = arith.extui %lt3A_166 : i1 to i32
        %cond3A_168 = arith.constant 0 : i32
        %cond3A_169 = arith.cmpi ne, %convert_element_type3A_167, %cond3A_168 : i32
        scf.if %cond3A_169 {
          %add3A_170 = arith.constant 2 : i32
          %add3A_171 = arith.addi %add3A_129, %add3A_170 : i32
          %dma_start3A_172 = arith.constant 0 : i32
          %dma_start3A_173 = tpu.memref_slice %arg7[%add3A_171, %dma_start3A_172] : memref<25x80xi32, #tpu.memory_space<vmem>> -> memref<1x80xi32, #tpu.memory_space<vmem>>
          %dma_start3A_174 = tpu.memref_squeeze %dma_start3A_173 : memref<1x80xi32, #tpu.memory_space<vmem>> -> memref<80xi32, #tpu.memory_space<vmem>>
          %dma_start3A_175 = arith.constant 0 : i32
          %dma_start3A_176 = arith.constant 0 : i32
          %dma_start3A_177 = tpu.memref_slice %arg2[%dma_start3A_175, %dma_start3A_176] : memref<10000x128xf32, #tpu.memory_space<hbm>> -> memref<10000x128xf32, #tpu.memory_space<hbm>>
          tpu.enqueue_indirect_dma source(%dma_start3A_177 : memref<10000x128xf32, #tpu.memory_space<hbm>>) target(%arg10 : memref<80x128xf32, #tpu.memory_space<vmem>>) offsets(%dma_start3A_174 : memref<80xi32, #tpu.memory_space<vmem>>) semaphore(%arg16 : memref<!tpu.dma_semaphore, #tpu.memory_space<semaphore_mem>>)
          %add3A_178 = arith.constant 2 : i32
          %add3A_179 = arith.addi %add3A_129, %add3A_178 : i32
          %dma_start3A_180 = arith.constant 0 : i32
          %dma_start3A_181 = tpu.memref_slice %arg8[%add3A_179, %dma_start3A_180] : memref<25x80xi32, #tpu.memory_space<vmem>> -> memref<1x80xi32, #tpu.memory_space<vmem>>
          %dma_start3A_182 = tpu.memref_squeeze %dma_start3A_181 : memref<1x80xi32, #tpu.memory_space<vmem>> -> memref<80xi32, #tpu.memory_space<vmem>>
          %dma_start3A_183 = arith.constant 0 : i32
          %dma_start3A_184 = arith.constant 0 : i32
          %dma_start3A_185 = tpu.memref_slice %arg3[%dma_start3A_183, %dma_start3A_184] : memref<10000x128xf32, #tpu.memory_space<hbm>> -> memref<10000x128xf32, #tpu.memory_space<hbm>>
          tpu.enqueue_indirect_dma source(%dma_start3A_185 : memref<10000x128xf32, #tpu.memory_space<hbm>>) target(%arg12 : memref<80x128xf32, #tpu.memory_space<vmem>>) offsets(%dma_start3A_182 : memref<80xi32, #tpu.memory_space<vmem>>) semaphore(%arg18 : memref<!tpu.dma_semaphore, #tpu.memory_space<semaphore_mem>>)
        } else {
        }
      }
      %scan3A_48 = arith.constant 12 : i32
      %mul3A_49 = arith.constant 25 : i32
      %mul3A_50 = arith.muli %scan3A_15, %mul3A_49 : i32
      %add3A_51 = arith.constant 24 : i32
      %add3A_52 = arith.addi %mul3A_50, %add3A_51 : i32
      %mul3A_53 = arith.constant 80 : i32
      %mul3A_54 = arith.muli %add3A_52, %mul3A_53 : i32
      %add3A_55 = arith.addi %mul3A_2, %mul3A_54 : i32
      %dma_wait3A_56 = arith.constant 24 : i32
      %dma_wait3A_57 = arith.constant 0 : i32
      %dma_wait3A_58 = tpu.memref_slice %arg7[%dma_wait3A_56, %dma_wait3A_57] : memref<25x80xi32, #tpu.memory_space<vmem>> -> memref<1x80xi32, #tpu.memory_space<vmem>>
      %dma_wait3A_59 = tpu.memref_squeeze %dma_wait3A_58 : memref<1x80xi32, #tpu.memory_space<vmem>> -> memref<80xi32, #tpu.memory_space<vmem>>
      %dma_wait3A_60 = arith.constant 0 : i32
      %dma_wait3A_61 = arith.constant 0 : i32
      %dma_wait3A_62 = tpu.memref_slice %arg2[%dma_wait3A_60, %dma_wait3A_61] : memref<10000x128xf32, #tpu.memory_space<hbm>> -> memref<10000x128xf32, #tpu.memory_space<hbm>>
      tpu.wait_indirect_dma semaphore(%arg15 : memref<!tpu.dma_semaphore, #tpu.memory_space<semaphore_mem>>) src(%dma_wait3A_62 : memref<10000x128xf32, #tpu.memory_space<hbm>>) dst(%arg9 : memref<80x128xf32, #tpu.memory_space<vmem>>)
      %dma_wait3A_63 = arith.constant 24 : i32
      %dma_wait3A_64 = arith.constant 0 : i32
      %dma_wait3A_65 = tpu.memref_slice %arg8[%dma_wait3A_63, %dma_wait3A_64] : memref<25x80xi32, #tpu.memory_space<vmem>> -> memref<1x80xi32, #tpu.memory_space<vmem>>
      %dma_wait3A_66 = tpu.memref_squeeze %dma_wait3A_65 : memref<1x80xi32, #tpu.memory_space<vmem>> -> memref<80xi32, #tpu.memory_space<vmem>>
      %dma_wait3A_67 = arith.constant 0 : i32
      %dma_wait3A_68 = arith.constant 0 : i32
      %dma_wait3A_69 = tpu.memref_slice %arg3[%dma_wait3A_67, %dma_wait3A_68] : memref<10000x128xf32, #tpu.memory_space<hbm>> -> memref<10000x128xf32, #tpu.memory_space<hbm>>
      tpu.wait_indirect_dma semaphore(%arg17 : memref<!tpu.dma_semaphore, #tpu.memory_space<semaphore_mem>>) src(%dma_wait3A_69 : memref<10000x128xf32, #tpu.memory_space<hbm>>) dst(%arg11 : memref<80x128xf32, #tpu.memory_space<vmem>>)
      %ge3A = arith.constant 2 : i32
      %ge3A_70 = arith.cmpi sge, %add3A_52, %ge3A : i32
      %convert_element_type3A = arith.extui %ge3A_70 : i1 to i32
      %cond3A = arith.constant 0 : i32
      %cond3A_71 = arith.cmpi ne, %convert_element_type3A, %cond3A : i32
      scf.if %cond3A_71 {
        %mul3A_82 = arith.constant 16 : i32
        %mul3A_83 = arith.muli %add3A_55, %mul3A_82 : i32
        %dma_wait3A_84 = tpu.memref_slice %arg6[%mul3A_83] : memref<5120000xf32, #tpu.memory_space<hbm>> -> memref<1280xf32, #tpu.memory_space<hbm>>
        %dma_wait3A_85 = tpu.memref_slice %arg6[%mul3A_83] : memref<5120000xf32, #tpu.memory_space<hbm>> -> memref<1280xf32, #tpu.memory_space<hbm>>
        tpu.wait_dma2 semaphore(%arg19 : memref<!tpu.dma_semaphore, #tpu.memory_space<semaphore_mem>>) src(%arg13 : memref<1280xf32, #tpu.memory_space<vmem>>) dst(%dma_wait3A_85 : memref<1280xf32, #tpu.memory_space<hbm>>)
      } else {
      }
      %scan3A_72 = arith.constant 0 : i32
      %scan3A_73 = arith.constant 0 : i32
      %scan3A_74 = arith.constant 80 : i32
      %scan3A_75 = arith.addi %scan3A_73, %scan3A_74 : i32
      %scan3A_76 = arith.constant 1 : i32
      scf.for %scan3A_82 = %scan3A_73 to %scan3A_75 step %scan3A_76  : i32 {
        %get3A = arith.index_cast %scan3A_82 : i32 to index
        %get3A_83 = arith.constant 0 : index
        %get3A_84 = tpu.vector_load %arg9[%get3A, %get3A_83] {strides = array<i32>} : memref<80x128xf32, #tpu.memory_space<vmem>>, vector<1x16xf32>,
        %get3A_85 = vector.shape_cast %get3A_84 : vector<1x16xf32> to vector<16xf32>
        %get3A_86 = arith.index_cast %scan3A_82 : i32 to index
        %get3A_87 = arith.constant 0 : index
        %get3A_88 = tpu.vector_load %arg11[%get3A_86, %get3A_87] {strides = array<i32>} : memref<80x128xf32, #tpu.memory_space<vmem>>, vector<1x16xf32>,
        %get3A_89 = vector.shape_cast %get3A_88 : vector<1x16xf32> to vector<16xf32>
        %mul3A_90 = arith.mulf %get3A_85, %get3A_89 : vector<16xf32>
        %get3A_91 = arith.index_cast %scan3A_82 : i32 to index
        %get3A_92 = arith.constant 16 : index
        %get3A_93 = tpu.vector_load %arg9[%get3A_91, %get3A_92] {strides = array<i32>} : memref<80x128xf32, #tpu.memory_space<vmem>>, vector<1x16xf32>,
        %get3A_94 = vector.shape_cast %get3A_93 : vector<1x16xf32> to vector<16xf32>
        %get3A_95 = arith.index_cast %scan3A_82 : i32 to index
        %get3A_96 = arith.constant 16 : index
        %get3A_97 = tpu.vector_load %arg11[%get3A_95, %get3A_96] {strides = array<i32>} : memref<80x128xf32, #tpu.memory_space<vmem>>, vector<1x16xf32>,
        %get3A_98 = vector.shape_cast %get3A_97 : vector<1x16xf32> to vector<16xf32>
        %mul3A_99 = arith.mulf %get3A_94, %get3A_98 : vector<16xf32>
        %add3A_100 = arith.addf %mul3A_90, %mul3A_99 : vector<16xf32>
        %get3A_101 = arith.index_cast %scan3A_82 : i32 to index
        %get3A_102 = arith.constant 32 : index
        %get3A_103 = tpu.vector_load %arg9[%get3A_101, %get3A_102] {strides = array<i32>} : memref<80x128xf32, #tpu.memory_space<vmem>>, vector<1x16xf32>,
        %get3A_104 = vector.shape_cast %get3A_103 : vector<1x16xf32> to vector<16xf32>
        %get3A_105 = arith.index_cast %scan3A_82 : i32 to index
        %get3A_106 = arith.constant 32 : index
        %get3A_107 = tpu.vector_load %arg11[%get3A_105, %get3A_106] {strides = array<i32>} : memref<80x128xf32, #tpu.memory_space<vmem>>, vector<1x16xf32>,
        %get3A_108 = vector.shape_cast %get3A_107 : vector<1x16xf32> to vector<16xf32>
        %mul3A_109 = arith.mulf %get3A_104, %get3A_108 : vector<16xf32>
        %add3A_110 = arith.addf %add3A_100, %mul3A_109 : vector<16xf32>
        %get3A_111 = arith.index_cast %scan3A_82 : i32 to index
        %get3A_112 = arith.constant 48 : index
        %get3A_113 = tpu.vector_load %arg9[%get3A_111, %get3A_112] {strides = array<i32>} : memref<80x128xf32, #tpu.memory_space<vmem>>, vector<1x16xf32>,
        %get3A_114 = vector.shape_cast %get3A_113 : vector<1x16xf32> to vector<16xf32>
        %get3A_115 = arith.index_cast %scan3A_82 : i32 to index
        %get3A_116 = arith.constant 48 : index
        %get3A_117 = tpu.vector_load %arg11[%get3A_115, %get3A_116] {strides = array<i32>} : memref<80x128xf32, #tpu.memory_space<vmem>>, vector<1x16xf32>,
        %get3A_118 = vector.shape_cast %get3A_117 : vector<1x16xf32> to vector<16xf32>
        %mul3A_119 = arith.mulf %get3A_114, %get3A_118 : vector<16xf32>
        %add3A_120 = arith.addf %add3A_110, %mul3A_119 : vector<16xf32>
        %get3A_121 = arith.index_cast %scan3A_82 : i32 to index
        %get3A_122 = arith.constant 64 : index
        %get3A_123 = tpu.vector_load %arg9[%get3A_121, %get3A_122] {strides = array<i32>} : memref<80x128xf32, #tpu.memory_space<vmem>>, vector<1x16xf32>,
        %get3A_124 = vector.shape_cast %get3A_123 : vector<1x16xf32> to vector<16xf32>
        %get3A_125 = arith.index_cast %scan3A_82 : i32 to index
        %get3A_126 = arith.constant 64 : index
        %get3A_127 = tpu.vector_load %arg11[%get3A_125, %get3A_126] {strides = array<i32>} : memref<80x128xf32, #tpu.memory_space<vmem>>, vector<1x16xf32>,
        %get3A_128 = vector.shape_cast %get3A_127 : vector<1x16xf32> to vector<16xf32>
        %mul3A_129 = arith.mulf %get3A_124, %get3A_128 : vector<16xf32>
        %add3A_130 = arith.addf %add3A_120, %mul3A_129 : vector<16xf32>
        %get3A_131 = arith.index_cast %scan3A_82 : i32 to index
        %get3A_132 = arith.constant 80 : index
        %get3A_133 = tpu.vector_load %arg9[%get3A_131, %get3A_132] {strides = array<i32>} : memref<80x128xf32, #tpu.memory_space<vmem>>, vector<1x16xf32>,
        %get3A_134 = vector.shape_cast %get3A_133 : vector<1x16xf32> to vector<16xf32>
        %get3A_135 = arith.index_cast %scan3A_82 : i32 to index
        %get3A_136 = arith.constant 80 : index
        %get3A_137 = tpu.vector_load %arg11[%get3A_135, %get3A_136] {strides = array<i32>} : memref<80x128xf32, #tpu.memory_space<vmem>>, vector<1x16xf32>,
        %get3A_138 = vector.shape_cast %get3A_137 : vector<1x16xf32> to vector<16xf32>
        %mul3A_139 = arith.mulf %get3A_134, %get3A_138 : vector<16xf32>
        %add3A_140 = arith.addf %add3A_130, %mul3A_139 : vector<16xf32>
        %get3A_141 = arith.index_cast %scan3A_82 : i32 to index
        %get3A_142 = arith.constant 96 : index
        %get3A_143 = tpu.vector_load %arg9[%get3A_141, %get3A_142] {strides = array<i32>} : memref<80x128xf32, #tpu.memory_space<vmem>>, vector<1x16xf32>,
        %get3A_144 = vector.shape_cast %get3A_143 : vector<1x16xf32> to vector<16xf32>
        %get3A_145 = arith.index_cast %scan3A_82 : i32 to index
        %get3A_146 = arith.constant 96 : index
        %get3A_147 = tpu.vector_load %arg11[%get3A_145, %get3A_146] {strides = array<i32>} : memref<80x128xf32, #tpu.memory_space<vmem>>, vector<1x16xf32>,
        %get3A_148 = vector.shape_cast %get3A_147 : vector<1x16xf32> to vector<16xf32>
        %mul3A_149 = arith.mulf %get3A_144, %get3A_148 : vector<16xf32>
        %add3A_150 = arith.addf %add3A_140, %mul3A_149 : vector<16xf32>
        %get3A_151 = arith.index_cast %scan3A_82 : i32 to index
        %get3A_152 = arith.constant 112 : index
        %get3A_153 = tpu.vector_load %arg9[%get3A_151, %get3A_152] {strides = array<i32>} : memref<80x128xf32, #tpu.memory_space<vmem>>, vector<1x16xf32>,
        %get3A_154 = vector.shape_cast %get3A_153 : vector<1x16xf32> to vector<16xf32>
        %get3A_155 = arith.index_cast %scan3A_82 : i32 to index
        %get3A_156 = arith.constant 112 : index
        %get3A_157 = tpu.vector_load %arg11[%get3A_155, %get3A_156] {strides = array<i32>} : memref<80x128xf32, #tpu.memory_space<vmem>>, vector<1x16xf32>,
        %get3A_158 = vector.shape_cast %get3A_157 : vector<1x16xf32> to vector<16xf32>
        %mul3A_159 = arith.mulf %get3A_154, %get3A_158 : vector<16xf32>
        %add3A_160 = arith.addf %add3A_150, %mul3A_159 : vector<16xf32>
        %mul3A_161 = arith.constant 16 : i32
        %mul3A_162 = arith.muli %scan3A_82, %mul3A_161 : i32
        %swap3A = arith.index_cast %mul3A_162 : i32 to index
        %swap3A_163 = tpu.vector_load %arg13[%swap3A] {strides = array<i32>} : memref<1280xf32, #tpu.memory_space<vmem>>, vector<16xf32>,
        %swap3A_164 = vector.shape_cast %swap3A_163 : vector<16xf32> to vector<16xf32>
        %swap3A_165 = vector.shape_cast %add3A_160 : vector<16xf32> to vector<16xf32>
        tpu.vector_store %arg13[%swap3A], %swap3A_165 {strides = array<i32>} : memref<1280xf32, #tpu.memory_space<vmem>>, vector<16xf32>,
      }
      %scan3A_77 = arith.constant 80 : i32
      %mul3A_78 = arith.constant 16 : i32
      %mul3A_79 = arith.muli %add3A_55, %mul3A_78 : i32
      %dma_start3A_80 = tpu.memref_slice %arg6[%mul3A_79] : memref<5120000xf32, #tpu.memory_space<hbm>> -> memref<1280xf32, #tpu.memory_space<hbm>>
      %dma_start3A_81 = tpu.memref_slice %arg6[%mul3A_79] : memref<5120000xf32, #tpu.memory_space<hbm>> -> memref<1280xf32, #tpu.memory_space<hbm>>
      tpu.enqueue_dma source(%arg13 : memref<1280xf32, #tpu.memory_space<vmem>>) target(%dma_start3A_81 : memref<1280xf32, #tpu.memory_space<hbm>>) target_semaphore(%arg19 : memref<!tpu.dma_semaphore, #tpu.memory_space<semaphore_mem>>)
    }
    %scan3A_7 = arith.constant 5 : i32
    %mul3A_8 = arith.constant 16 : i32
    %mul3A_9 = arith.muli %mul3A_2, %mul3A_8 : i32
    %dma_wait3A = tpu.memref_slice %arg6[%mul3A_9] : memref<5120000xf32, #tpu.memory_space<hbm>> -> memref<1280xf32, #tpu.memory_space<hbm>>
    %dma_wait3A_10 = tpu.memref_slice %arg6[%mul3A_9] : memref<5120000xf32, #tpu.memory_space<hbm>> -> memref<1280xf32, #tpu.memory_space<hbm>>
    tpu.wait_dma2 semaphore(%arg19 : memref<!tpu.dma_semaphore, #tpu.memory_space<semaphore_mem>>) src(%arg13 : memref<1280xf32, #tpu.memory_space<vmem>>) dst(%dma_wait3A_10 : memref<1280xf32, #tpu.memory_space<hbm>>)
    %mul3A_11 = arith.constant 16 : i32
    %mul3A_12 = arith.muli %mul3A_2, %mul3A_11 : i32
    %dma_wait3A_13 = tpu.memref_slice %arg6[%mul3A_12] : memref<5120000xf32, #tpu.memory_space<hbm>> -> memref<1280xf32, #tpu.memory_space<hbm>>
    %dma_wait3A_14 = tpu.memref_slice %arg6[%mul3A_12] : memref<5120000xf32, #tpu.memory_space<hbm>> -> memref<1280xf32, #tpu.memory_space<hbm>>
    tpu.wait_dma2 semaphore(%arg20 : memref<!tpu.dma_semaphore, #tpu.memory_space<semaphore_mem>>) src(%arg14 : memref<1280xf32, #tpu.memory_space<vmem>>) dst(%dma_wait3A_14 : memref<1280xf32, #tpu.memory_space<hbm>>)
    return
  }
}

#map = affine_map<(d0, d1) -> (0, 0)>
#map1 = affine_map<(d0, d1) -> (0, 0, 0, 0)>
#map2 = affine_map<(d0, d1) -> (0, 0, 0)>
module attributes {stable_mosaic.version = 14 : i64} {
  func.func @_sc_segment_sum(%arg0: i32, %arg1: i32, %arg2: memref<10000x128xf32, #tpu.memory_space<hbm>>, %arg3: memref<32x5x25x80xi32, #tpu.memory_space<hbm>>, %arg4: memref<32x5x25x80xi32, #tpu.memory_space<hbm>>, %arg5: memref<10240x128xf32, #tpu.memory_space<hbm>>, %arg6: memref<80x128xf32, #tpu.memory_space<hbm>>, %arg7: memref<2x10240x128xf32, #tpu.memory_space<hbm>>, %arg8: memref<2x10240x128xf32, #tpu.memory_space<hbm>>, %arg9: memref<25x80xi32, #tpu.memory_space<vmem>>, %arg10: memref<25x80xi32, #tpu.memory_space<vmem>>, %arg11: memref<80x128xf32, #tpu.memory_space<vmem>>, %arg12: memref<80x128xf32, #tpu.memory_space<vmem>>, %arg13: memref<10240x128xf32, #tpu.memory_space<vmem_shared>>, %arg14: memref<!tpu.dma_semaphore, #tpu.memory_space<semaphore_mem>>, %arg15: memref<!tpu.dma_semaphore, #tpu.memory_space<semaphore_mem>>, %arg16: memref<!tpu.dma_semaphore, #tpu.memory_space<semaphore_mem>>, %arg17: memref<!tpu.dma_semaphore, #tpu.memory_space<semaphore_mem>>, %arg18: memref<!tpu.dma_semaphore, #tpu.memory_space<semaphore_mem>>, %arg19: memref<!tpu.dma_semaphore, #tpu.memory_space<semaphore_mem>>, %arg20: memref<!tpu.dma_semaphore, #tpu.memory_space<semaphore_mem>>, %arg21: memref<!tpu.dma_semaphore, #tpu.memory_space<semaphore_mem>>, %arg22: memref<!tpu.dma_semaphore, #tpu.memory_space<semaphore_mem>>) attributes {dimension_semantics = [#tpu.dimension_semantics<core_parallel>, #tpu.dimension_semantics<subcore_parallel>], iteration_bounds = array<i64: 2, 16>, scalar_prefetch = 0 : i64, scratch_operands = 14 : i64, tpu.core_type = #tpu.core_type<sc_vector_subcore>, window_params = [{transform_indices = #map}, {transform_indices = #map1}, {transform_indices = #map1}, {transform_indices = #map}, {transform_indices = #map}, {transform_indices = #map2}, {transform_indices = #map2}]} {
    %mul3A = arith.constant 16 : i32
    %mul3A_0 = arith.muli %arg0, %mul3A : i32
    %add3A = arith.addi %mul3A_0, %arg1 : i32
    %mul3A_1 = arith.constant 640 : i32
    %mul3A_2 = arith.muli %arg1, %mul3A_1 : i32
    "tpu.region"() ({
      %run_scoped3A = tpu.sem_alloc : memref<!tpu.dma_semaphore, #tpu.memory_space<semaphore_mem>>
      %dma_start3A = arith.constant 0 : i32
      %dma_start3A_18 = tpu.memref_slice %arg13[%mul3A_2, %dma_start3A] : memref<10240x128xf32, #tpu.memory_space<vmem_shared>> -> memref<640x128xf32, #tpu.memory_space<vmem_shared>>
      %dma_start3A_19 = arith.constant 0 : i32
      %dma_start3A_20 = tpu.memref_slice %arg5[%mul3A_2, %dma_start3A_19] : memref<10240x128xf32, #tpu.memory_space<hbm>> -> memref<640x128xf32, #tpu.memory_space<hbm>>
      tpu.enqueue_dma source(%dma_start3A_20 : memref<640x128xf32, #tpu.memory_space<hbm>>) target(%dma_start3A_18 : memref<640x128xf32, #tpu.memory_space<vmem_shared>>) target_semaphore(%run_scoped3A : memref<!tpu.dma_semaphore, #tpu.memory_space<semaphore_mem>>)
      %dma_wait3A = arith.constant 0 : i32
      %dma_wait3A_21 = tpu.memref_slice %arg13[%mul3A_2, %dma_wait3A] : memref<10240x128xf32, #tpu.memory_space<vmem_shared>> -> memref<640x128xf32, #tpu.memory_space<vmem_shared>>
      %dma_wait3A_22 = arith.constant 0 : i32
      %dma_wait3A_23 = tpu.memref_slice %arg5[%mul3A_2, %dma_wait3A_22] : memref<10240x128xf32, #tpu.memory_space<hbm>> -> memref<640x128xf32, #tpu.memory_space<hbm>>
      tpu.wait_dma2 semaphore(%run_scoped3A : memref<!tpu.dma_semaphore, #tpu.memory_space<semaphore_mem>>) src(%dma_wait3A_23 : memref<640x128xf32, #tpu.memory_space<hbm>>) dst(%dma_wait3A_21 : memref<640x128xf32, #tpu.memory_space<vmem_shared>>)
      tpu.yield
    }) : () -> ()
    %barrier3A = arith.constant 0 : index
    tpu.barrier barrier_id(%barrier3A)
    %scan3A = arith.constant 0 : i32
    %scan3A_3 = arith.constant 0 : i32
    %scan3A_4 = arith.constant 5 : i32
    %scan3A_5 = arith.addi %scan3A_3, %scan3A_4 : i32
    %scan3A_6 = arith.constant 1 : i32
    scf.for %scan3A_18 = %scan3A_3 to %scan3A_5 step %scan3A_6  : i32 {
      "tpu.region"() ({
        %run_scoped3A = tpu.sem_alloc : memref<!tpu.dma_semaphore, #tpu.memory_space<semaphore_mem>>
        %dma_start3A_65 = arith.constant 0 : i32
        %dma_start3A_66 = arith.constant 0 : i32
        %dma_start3A_67 = tpu.memref_slice %arg3[%add3A, %scan3A_18, %dma_start3A_65, %dma_start3A_66] : memref<32x5x25x80xi32, #tpu.memory_space<hbm>> -> memref<1x1x25x80xi32, #tpu.memory_space<hbm>>
        %dma_start3A_68 = tpu.memref_squeeze %dma_start3A_67 : memref<1x1x25x80xi32, #tpu.memory_space<hbm>> -> memref<25x80xi32, #tpu.memory_space<hbm>>
        %dma_start3A_69 = arith.constant 0 : i32
        %dma_start3A_70 = arith.constant 0 : i32
        %dma_start3A_71 = tpu.memref_slice %arg3[%add3A, %scan3A_18, %dma_start3A_69, %dma_start3A_70] : memref<32x5x25x80xi32, #tpu.memory_space<hbm>> -> memref<1x1x25x80xi32, #tpu.memory_space<hbm>>
        %dma_start3A_72 = tpu.memref_squeeze %dma_start3A_71 : memref<1x1x25x80xi32, #tpu.memory_space<hbm>> -> memref<25x80xi32, #tpu.memory_space<hbm>>
        tpu.enqueue_dma source(%dma_start3A_72 : memref<25x80xi32, #tpu.memory_space<hbm>>) target(%arg9 : memref<25x80xi32, #tpu.memory_space<vmem>>) target_semaphore(%run_scoped3A : memref<!tpu.dma_semaphore, #tpu.memory_space<semaphore_mem>>)
        %dma_wait3A_73 = arith.constant 0 : i32
        %dma_wait3A_74 = arith.constant 0 : i32
        %dma_wait3A_75 = tpu.memref_slice %arg3[%add3A, %scan3A_18, %dma_wait3A_73, %dma_wait3A_74] : memref<32x5x25x80xi32, #tpu.memory_space<hbm>> -> memref<1x1x25x80xi32, #tpu.memory_space<hbm>>
        %dma_wait3A_76 = tpu.memref_squeeze %dma_wait3A_75 : memref<1x1x25x80xi32, #tpu.memory_space<hbm>> -> memref<25x80xi32, #tpu.memory_space<hbm>>
        %dma_wait3A_77 = arith.constant 0 : i32
        %dma_wait3A_78 = arith.constant 0 : i32
        %dma_wait3A_79 = tpu.memref_slice %arg3[%add3A, %scan3A_18, %dma_wait3A_77, %dma_wait3A_78] : memref<32x5x25x80xi32, #tpu.memory_space<hbm>> -> memref<1x1x25x80xi32, #tpu.memory_space<hbm>>
        %dma_wait3A_80 = tpu.memref_squeeze %dma_wait3A_79 : memref<1x1x25x80xi32, #tpu.memory_space<hbm>> -> memref<25x80xi32, #tpu.memory_space<hbm>>
        tpu.wait_dma2 semaphore(%run_scoped3A : memref<!tpu.dma_semaphore, #tpu.memory_space<semaphore_mem>>) src(%dma_wait3A_80 : memref<25x80xi32, #tpu.memory_space<hbm>>) dst(%arg9 : memref<25x80xi32, #tpu.memory_space<vmem>>)
        tpu.yield
      }) : () -> ()
      "tpu.region"() ({
        %run_scoped3A = tpu.sem_alloc : memref<!tpu.dma_semaphore, #tpu.memory_space<semaphore_mem>>
        %dma_start3A_65 = arith.constant 0 : i32
        %dma_start3A_66 = arith.constant 0 : i32
        %dma_start3A_67 = tpu.memref_slice %arg4[%add3A, %scan3A_18, %dma_start3A_65, %dma_start3A_66] : memref<32x5x25x80xi32, #tpu.memory_space<hbm>> -> memref<1x1x25x80xi32, #tpu.memory_space<hbm>>
        %dma_start3A_68 = tpu.memref_squeeze %dma_start3A_67 : memref<1x1x25x80xi32, #tpu.memory_space<hbm>> -> memref<25x80xi32, #tpu.memory_space<hbm>>
        %dma_start3A_69 = arith.constant 0 : i32
        %dma_start3A_70 = arith.constant 0 : i32
        %dma_start3A_71 = tpu.memref_slice %arg4[%add3A, %scan3A_18, %dma_start3A_69, %dma_start3A_70] : memref<32x5x25x80xi32, #tpu.memory_space<hbm>> -> memref<1x1x25x80xi32, #tpu.memory_space<hbm>>
        %dma_start3A_72 = tpu.memref_squeeze %dma_start3A_71 : memref<1x1x25x80xi32, #tpu.memory_space<hbm>> -> memref<25x80xi32, #tpu.memory_space<hbm>>
        tpu.enqueue_dma source(%dma_start3A_72 : memref<25x80xi32, #tpu.memory_space<hbm>>) target(%arg10 : memref<25x80xi32, #tpu.memory_space<vmem>>) target_semaphore(%run_scoped3A : memref<!tpu.dma_semaphore, #tpu.memory_space<semaphore_mem>>)
        %dma_wait3A_73 = arith.constant 0 : i32
        %dma_wait3A_74 = arith.constant 0 : i32
        %dma_wait3A_75 = tpu.memref_slice %arg4[%add3A, %scan3A_18, %dma_wait3A_73, %dma_wait3A_74] : memref<32x5x25x80xi32, #tpu.memory_space<hbm>> -> memref<1x1x25x80xi32, #tpu.memory_space<hbm>>
        %dma_wait3A_76 = tpu.memref_squeeze %dma_wait3A_75 : memref<1x1x25x80xi32, #tpu.memory_space<hbm>> -> memref<25x80xi32, #tpu.memory_space<hbm>>
        %dma_wait3A_77 = arith.constant 0 : i32
        %dma_wait3A_78 = arith.constant 0 : i32
        %dma_wait3A_79 = tpu.memref_slice %arg4[%add3A, %scan3A_18, %dma_wait3A_77, %dma_wait3A_78] : memref<32x5x25x80xi32, #tpu.memory_space<hbm>> -> memref<1x1x25x80xi32, #tpu.memory_space<hbm>>
        %dma_wait3A_80 = tpu.memref_squeeze %dma_wait3A_79 : memref<1x1x25x80xi32, #tpu.memory_space<hbm>> -> memref<25x80xi32, #tpu.memory_space<hbm>>
        tpu.wait_dma2 semaphore(%run_scoped3A : memref<!tpu.dma_semaphore, #tpu.memory_space<semaphore_mem>>) src(%dma_wait3A_80 : memref<25x80xi32, #tpu.memory_space<hbm>>) dst(%arg10 : memref<25x80xi32, #tpu.memory_space<vmem>>)
        tpu.yield
      }) : () -> ()
      %dma_start3A = arith.constant 0 : i32
      %dma_start3A_19 = arith.constant 0 : i32
      %dma_start3A_20 = tpu.memref_slice %arg9[%dma_start3A, %dma_start3A_19] : memref<25x80xi32, #tpu.memory_space<vmem>> -> memref<1x80xi32, #tpu.memory_space<vmem>>
      %dma_start3A_21 = tpu.memref_squeeze %dma_start3A_20 : memref<1x80xi32, #tpu.memory_space<vmem>> -> memref<80xi32, #tpu.memory_space<vmem>>
      %dma_start3A_22 = arith.constant 0 : i32
      %dma_start3A_23 = arith.constant 0 : i32
      %dma_start3A_24 = tpu.memref_slice %arg2[%dma_start3A_22, %dma_start3A_23] : memref<10000x128xf32, #tpu.memory_space<hbm>> -> memref<10000x128xf32, #tpu.memory_space<hbm>>
      tpu.enqueue_indirect_dma source(%dma_start3A_24 : memref<10000x128xf32, #tpu.memory_space<hbm>>) target(%arg11 : memref<80x128xf32, #tpu.memory_space<vmem>>) offsets(%dma_start3A_21 : memref<80xi32, #tpu.memory_space<vmem>>) semaphore(%arg14 : memref<!tpu.dma_semaphore, #tpu.memory_space<semaphore_mem>>)
      %dma_start3A_25 = arith.constant 1 : i32
      %dma_start3A_26 = arith.constant 0 : i32
      %dma_start3A_27 = tpu.memref_slice %arg9[%dma_start3A_25, %dma_start3A_26] : memref<25x80xi32, #tpu.memory_space<vmem>> -> memref<1x80xi32, #tpu.memory_space<vmem>>
      %dma_start3A_28 = tpu.memref_squeeze %dma_start3A_27 : memref<1x80xi32, #tpu.memory_space<vmem>> -> memref<80xi32, #tpu.memory_space<vmem>>
      %dma_start3A_29 = arith.constant 0 : i32
      %dma_start3A_30 = arith.constant 0 : i32
      %dma_start3A_31 = tpu.memref_slice %arg2[%dma_start3A_29, %dma_start3A_30] : memref<10000x128xf32, #tpu.memory_space<hbm>> -> memref<10000x128xf32, #tpu.memory_space<hbm>>
      tpu.enqueue_indirect_dma source(%dma_start3A_31 : memref<10000x128xf32, #tpu.memory_space<hbm>>) target(%arg12 : memref<80x128xf32, #tpu.memory_space<vmem>>) offsets(%dma_start3A_28 : memref<80xi32, #tpu.memory_space<vmem>>) semaphore(%arg15 : memref<!tpu.dma_semaphore, #tpu.memory_space<semaphore_mem>>)
      %scan3A_32 = arith.constant 0 : i32
      %scan3A_33 = arith.constant 0 : i32
      %scan3A_34 = arith.constant 12 : i32
      %scan3A_35 = arith.addi %scan3A_33, %scan3A_34 : i32
      %scan3A_36 = arith.constant 1 : i32
      scf.for %scan3A_65 = %scan3A_33 to %scan3A_35 step %scan3A_36  : i32 {
        %mul3A_66 = arith.constant 2 : i32
        %mul3A_67 = arith.muli %scan3A_65, %mul3A_66 : i32
        %add3A_68 = arith.constant 0 : i32
        %add3A_69 = arith.addi %mul3A_67, %add3A_68 : i32
        %dma_wait3A_70 = arith.constant 0 : i32
        %dma_wait3A_71 = tpu.memref_slice %arg9[%add3A_69, %dma_wait3A_70] : memref<25x80xi32, #tpu.memory_space<vmem>> -> memref<1x80xi32, #tpu.memory_space<vmem>>
        %dma_wait3A_72 = tpu.memref_squeeze %dma_wait3A_71 : memref<1x80xi32, #tpu.memory_space<vmem>> -> memref<80xi32, #tpu.memory_space<vmem>>
        %dma_wait3A_73 = arith.constant 0 : i32
        %dma_wait3A_74 = arith.constant 0 : i32
        %dma_wait3A_75 = tpu.memref_slice %arg2[%dma_wait3A_73, %dma_wait3A_74] : memref<10000x128xf32, #tpu.memory_space<hbm>> -> memref<10000x128xf32, #tpu.memory_space<hbm>>
        tpu.wait_indirect_dma semaphore(%arg14 : memref<!tpu.dma_semaphore, #tpu.memory_space<semaphore_mem>>) src(%dma_wait3A_75 : memref<10000x128xf32, #tpu.memory_space<hbm>>) dst(%arg11 : memref<80x128xf32, #tpu.memory_space<vmem>>)
        %dma_start3A_76 = arith.constant 0 : i32
        %dma_start3A_77 = tpu.memref_slice %arg10[%add3A_69, %dma_start3A_76] : memref<25x80xi32, #tpu.memory_space<vmem>> -> memref<1x80xi32, #tpu.memory_space<vmem>>
        %dma_start3A_78 = tpu.memref_squeeze %dma_start3A_77 : memref<1x80xi32, #tpu.memory_space<vmem>> -> memref<80xi32, #tpu.memory_space<vmem>>
        %dma_start3A_79 = arith.constant 0 : i32
        %dma_start3A_80 = arith.constant 0 : i32
        %dma_start3A_81 = tpu.memref_slice %arg13[%dma_start3A_79, %dma_start3A_80] : memref<10240x128xf32, #tpu.memory_space<vmem_shared>> -> memref<10240x128xf32, #tpu.memory_space<vmem_shared>>
        tpu.enqueue_indirect_dma source(%arg11 : memref<80x128xf32, #tpu.memory_space<vmem>>) target(%dma_start3A_81 : memref<10240x128xf32, #tpu.memory_space<vmem_shared>>) offsets(%dma_start3A_78 : memref<80xi32, #tpu.memory_space<vmem>>) semaphore(%arg16 : memref<!tpu.dma_semaphore, #tpu.memory_space<semaphore_mem>>) {add = true}
        %gt3A = arith.constant 0 : i32
        %gt3A_82 = arith.cmpi sgt, %add3A_69, %gt3A : i32
        %convert_element_type3A = arith.extui %gt3A_82 : i1 to i32
        %cond3A = arith.constant 0 : i32
        %cond3A_83 = arith.cmpi ne, %convert_element_type3A, %cond3A : i32
        scf.if %cond3A_83 {
          %sub3A_126 = arith.constant 1 : i32
          %sub3A_127 = arith.subi %add3A_69, %sub3A_126 : i32
          %dma_wait3A_128 = arith.constant 0 : i32
          %dma_wait3A_129 = tpu.memref_slice %arg10[%sub3A_127, %dma_wait3A_128] : memref<25x80xi32, #tpu.memory_space<vmem>> -> memref<1x80xi32, #tpu.memory_space<vmem>>
          %dma_wait3A_130 = tpu.memref_squeeze %dma_wait3A_129 : memref<1x80xi32, #tpu.memory_space<vmem>> -> memref<80xi32, #tpu.memory_space<vmem>>
          %dma_wait3A_131 = arith.constant 0 : i32
          %dma_wait3A_132 = arith.constant 0 : i32
          %dma_wait3A_133 = tpu.memref_slice %arg13[%dma_wait3A_131, %dma_wait3A_132] : memref<10240x128xf32, #tpu.memory_space<vmem_shared>> -> memref<10240x128xf32, #tpu.memory_space<vmem_shared>>
          tpu.wait_indirect_dma semaphore(%arg17 : memref<!tpu.dma_semaphore, #tpu.memory_space<semaphore_mem>>) src(%arg12 : memref<80x128xf32, #tpu.memory_space<vmem>>) dst(%dma_wait3A_133 : memref<10240x128xf32, #tpu.memory_space<vmem_shared>>)
        } else {
        }
        %gt3A_84 = arith.constant 0 : i32
        %gt3A_85 = arith.cmpi sgt, %add3A_69, %gt3A_84 : i32
        %add3A_86 = arith.constant 2 : i32
        %add3A_87 = arith.addi %add3A_69, %add3A_86 : i32
        %sub3A = arith.constant 1 : i32
        %sub3A_88 = arith.subi %add3A_87, %sub3A : i32
        %lt3A = arith.constant 25 : i32
        %lt3A_89 = arith.cmpi slt, %sub3A_88, %lt3A : i32
        %and3A = arith.andi %gt3A_85, %lt3A_89 : i1
        %convert_element_type3A_90 = arith.extui %and3A : i1 to i32
        %cond3A_91 = arith.constant 0 : i32
        %cond3A_92 = arith.cmpi ne, %convert_element_type3A_90, %cond3A_91 : i32
        scf.if %cond3A_92 {
          %add3A_126 = arith.constant 2 : i32
          %add3A_127 = arith.addi %add3A_69, %add3A_126 : i32
          %sub3A_128 = arith.constant 1 : i32
          %sub3A_129 = arith.subi %add3A_127, %sub3A_128 : i32
          %dma_start3A_130 = arith.constant 0 : i32
          %dma_start3A_131 = tpu.memref_slice %arg9[%sub3A_129, %dma_start3A_130] : memref<25x80xi32, #tpu.memory_space<vmem>> -> memref<1x80xi32, #tpu.memory_space<vmem>>
          %dma_start3A_132 = tpu.memref_squeeze %dma_start3A_131 : memref<1x80xi32, #tpu.memory_space<vmem>> -> memref<80xi32, #tpu.memory_space<vmem>>
          %dma_start3A_133 = arith.constant 0 : i32
          %dma_start3A_134 = arith.constant 0 : i32
          %dma_start3A_135 = tpu.memref_slice %arg2[%dma_start3A_133, %dma_start3A_134] : memref<10000x128xf32, #tpu.memory_space<hbm>> -> memref<10000x128xf32, #tpu.memory_space<hbm>>
          tpu.enqueue_indirect_dma source(%dma_start3A_135 : memref<10000x128xf32, #tpu.memory_space<hbm>>) target(%arg12 : memref<80x128xf32, #tpu.memory_space<vmem>>) offsets(%dma_start3A_132 : memref<80xi32, #tpu.memory_space<vmem>>) semaphore(%arg15 : memref<!tpu.dma_semaphore, #tpu.memory_space<semaphore_mem>>)
        } else {
        }
        %mul3A_93 = arith.constant 2 : i32
        %mul3A_94 = arith.muli %scan3A_65, %mul3A_93 : i32
        %add3A_95 = arith.constant 1 : i32
        %add3A_96 = arith.addi %mul3A_94, %add3A_95 : i32
        %dma_wait3A_97 = arith.constant 0 : i32
        %dma_wait3A_98 = tpu.memref_slice %arg9[%add3A_96, %dma_wait3A_97] : memref<25x80xi32, #tpu.memory_space<vmem>> -> memref<1x80xi32, #tpu.memory_space<vmem>>
        %dma_wait3A_99 = tpu.memref_squeeze %dma_wait3A_98 : memref<1x80xi32, #tpu.memory_space<vmem>> -> memref<80xi32, #tpu.memory_space<vmem>>
        %dma_wait3A_100 = arith.constant 0 : i32
        %dma_wait3A_101 = arith.constant 0 : i32
        %dma_wait3A_102 = tpu.memref_slice %arg2[%dma_wait3A_100, %dma_wait3A_101] : memref<10000x128xf32, #tpu.memory_space<hbm>> -> memref<10000x128xf32, #tpu.memory_space<hbm>>
        tpu.wait_indirect_dma semaphore(%arg15 : memref<!tpu.dma_semaphore, #tpu.memory_space<semaphore_mem>>) src(%dma_wait3A_102 : memref<10000x128xf32, #tpu.memory_space<hbm>>) dst(%arg12 : memref<80x128xf32, #tpu.memory_space<vmem>>)
        %dma_start3A_103 = arith.constant 0 : i32
        %dma_start3A_104 = tpu.memref_slice %arg10[%add3A_96, %dma_start3A_103] : memref<25x80xi32, #tpu.memory_space<vmem>> -> memref<1x80xi32, #tpu.memory_space<vmem>>
        %dma_start3A_105 = tpu.memref_squeeze %dma_start3A_104 : memref<1x80xi32, #tpu.memory_space<vmem>> -> memref<80xi32, #tpu.memory_space<vmem>>
        %dma_start3A_106 = arith.constant 0 : i32
        %dma_start3A_107 = arith.constant 0 : i32
        %dma_start3A_108 = tpu.memref_slice %arg13[%dma_start3A_106, %dma_start3A_107] : memref<10240x128xf32, #tpu.memory_space<vmem_shared>> -> memref<10240x128xf32, #tpu.memory_space<vmem_shared>>
        tpu.enqueue_indirect_dma source(%arg12 : memref<80x128xf32, #tpu.memory_space<vmem>>) target(%dma_start3A_108 : memref<10240x128xf32, #tpu.memory_space<vmem_shared>>) offsets(%dma_start3A_105 : memref<80xi32, #tpu.memory_space<vmem>>) semaphore(%arg17 : memref<!tpu.dma_semaphore, #tpu.memory_space<semaphore_mem>>) {add = true}
        %gt3A_109 = arith.constant 0 : i32
        %gt3A_110 = arith.cmpi sgt, %add3A_96, %gt3A_109 : i32
        %convert_element_type3A_111 = arith.extui %gt3A_110 : i1 to i32
        %cond3A_112 = arith.constant 0 : i32
        %cond3A_113 = arith.cmpi ne, %convert_element_type3A_111, %cond3A_112 : i32
        scf.if %cond3A_113 {
          %sub3A_126 = arith.constant 1 : i32
          %sub3A_127 = arith.subi %add3A_96, %sub3A_126 : i32
          %dma_wait3A_128 = arith.constant 0 : i32
          %dma_wait3A_129 = tpu.memref_slice %arg10[%sub3A_127, %dma_wait3A_128] : memref<25x80xi32, #tpu.memory_space<vmem>> -> memref<1x80xi32, #tpu.memory_space<vmem>>
          %dma_wait3A_130 = tpu.memref_squeeze %dma_wait3A_129 : memref<1x80xi32, #tpu.memory_space<vmem>> -> memref<80xi32, #tpu.memory_space<vmem>>
          %dma_wait3A_131 = arith.constant 0 : i32
          %dma_wait3A_132 = arith.constant 0 : i32
          %dma_wait3A_133 = tpu.memref_slice %arg13[%dma_wait3A_131, %dma_wait3A_132] : memref<10240x128xf32, #tpu.memory_space<vmem_shared>> -> memref<10240x128xf32, #tpu.memory_space<vmem_shared>>
          tpu.wait_indirect_dma semaphore(%arg16 : memref<!tpu.dma_semaphore, #tpu.memory_space<semaphore_mem>>) src(%arg11 : memref<80x128xf32, #tpu.memory_space<vmem>>) dst(%dma_wait3A_133 : memref<10240x128xf32, #tpu.memory_space<vmem_shared>>)
        } else {
        }
        %gt3A_114 = arith.constant 0 : i32
        %gt3A_115 = arith.cmpi sgt, %add3A_96, %gt3A_114 : i32
        %add3A_116 = arith.constant 2 : i32
        %add3A_117 = arith.addi %add3A_96, %add3A_116 : i32
        %sub3A_118 = arith.constant 1 : i32
        %sub3A_119 = arith.subi %add3A_117, %sub3A_118 : i32
        %lt3A_120 = arith.constant 25 : i32
        %lt3A_121 = arith.cmpi slt, %sub3A_119, %lt3A_120 : i32
        %and3A_122 = arith.andi %gt3A_115, %lt3A_121 : i1
        %convert_element_type3A_123 = arith.extui %and3A_122 : i1 to i32
        %cond3A_124 = arith.constant 0 : i32
        %cond3A_125 = arith.cmpi ne, %convert_element_type3A_123, %cond3A_124 : i32
        scf.if %cond3A_125 {
          %add3A_126 = arith.constant 2 : i32
          %add3A_127 = arith.addi %add3A_96, %add3A_126 : i32
          %sub3A_128 = arith.constant 1 : i32
          %sub3A_129 = arith.subi %add3A_127, %sub3A_128 : i32
          %dma_start3A_130 = arith.constant 0 : i32
          %dma_start3A_131 = tpu.memref_slice %arg9[%sub3A_129, %dma_start3A_130] : memref<25x80xi32, #tpu.memory_space<vmem>> -> memref<1x80xi32, #tpu.memory_space<vmem>>
          %dma_start3A_132 = tpu.memref_squeeze %dma_start3A_131 : memref<1x80xi32, #tpu.memory_space<vmem>> -> memref<80xi32, #tpu.memory_space<vmem>>
          %dma_start3A_133 = arith.constant 0 : i32
          %dma_start3A_134 = arith.constant 0 : i32
          %dma_start3A_135 = tpu.memref_slice %arg2[%dma_start3A_133, %dma_start3A_134] : memref<10000x128xf32, #tpu.memory_space<hbm>> -> memref<10000x128xf32, #tpu.memory_space<hbm>>
          tpu.enqueue_indirect_dma source(%dma_start3A_135 : memref<10000x128xf32, #tpu.memory_space<hbm>>) target(%arg11 : memref<80x128xf32, #tpu.memory_space<vmem>>) offsets(%dma_start3A_132 : memref<80xi32, #tpu.memory_space<vmem>>) semaphore(%arg14 : memref<!tpu.dma_semaphore, #tpu.memory_space<semaphore_mem>>)
        } else {
        }
      }
      %scan3A_37 = arith.constant 12 : i32
      %dma_wait3A = arith.constant 24 : i32
      %dma_wait3A_38 = arith.constant 0 : i32
      %dma_wait3A_39 = tpu.memref_slice %arg9[%dma_wait3A, %dma_wait3A_38] : memref<25x80xi32, #tpu.memory_space<vmem>> -> memref<1x80xi32, #tpu.memory_space<vmem>>
      %dma_wait3A_40 = tpu.memref_squeeze %dma_wait3A_39 : memref<1x80xi32, #tpu.memory_space<vmem>> -> memref<80xi32, #tpu.memory_space<vmem>>
      %dma_wait3A_41 = arith.constant 0 : i32
      %dma_wait3A_42 = arith.constant 0 : i32
      %dma_wait3A_43 = tpu.memref_slice %arg2[%dma_wait3A_41, %dma_wait3A_42] : memref<10000x128xf32, #tpu.memory_space<hbm>> -> memref<10000x128xf32, #tpu.memory_space<hbm>>
      tpu.wait_indirect_dma semaphore(%arg14 : memref<!tpu.dma_semaphore, #tpu.memory_space<semaphore_mem>>) src(%dma_wait3A_43 : memref<10000x128xf32, #tpu.memory_space<hbm>>) dst(%arg11 : memref<80x128xf32, #tpu.memory_space<vmem>>)
      %dma_start3A_44 = arith.constant 24 : i32
      %dma_start3A_45 = arith.constant 0 : i32
      %dma_start3A_46 = tpu.memref_slice %arg10[%dma_start3A_44, %dma_start3A_45] : memref<25x80xi32, #tpu.memory_space<vmem>> -> memref<1x80xi32, #tpu.memory_space<vmem>>
      %dma_start3A_47 = tpu.memref_squeeze %dma_start3A_46 : memref<1x80xi32, #tpu.memory_space<vmem>> -> memref<80xi32, #tpu.memory_space<vmem>>
      %dma_start3A_48 = arith.constant 0 : i32
      %dma_start3A_49 = arith.constant 0 : i32
      %dma_start3A_50 = tpu.memref_slice %arg13[%dma_start3A_48, %dma_start3A_49] : memref<10240x128xf32, #tpu.memory_space<vmem_shared>> -> memref<10240x128xf32, #tpu.memory_space<vmem_shared>>
      tpu.enqueue_indirect_dma source(%arg11 : memref<80x128xf32, #tpu.memory_space<vmem>>) target(%dma_start3A_50 : memref<10240x128xf32, #tpu.memory_space<vmem_shared>>) offsets(%dma_start3A_47 : memref<80xi32, #tpu.memory_space<vmem>>) semaphore(%arg16 : memref<!tpu.dma_semaphore, #tpu.memory_space<semaphore_mem>>) {add = true}
      %dma_wait3A_51 = arith.constant 23 : i32
      %dma_wait3A_52 = arith.constant 0 : i32
      %dma_wait3A_53 = tpu.memref_slice %arg10[%dma_wait3A_51, %dma_wait3A_52] : memref<25x80xi32, #tpu.memory_space<vmem>> -> memref<1x80xi32, #tpu.memory_space<vmem>>
      %dma_wait3A_54 = tpu.memref_squeeze %dma_wait3A_53 : memref<1x80xi32, #tpu.memory_space<vmem>> -> memref<80xi32, #tpu.memory_space<vmem>>
      %dma_wait3A_55 = arith.constant 0 : i32
      %dma_wait3A_56 = arith.constant 0 : i32
      %dma_wait3A_57 = tpu.memref_slice %arg13[%dma_wait3A_55, %dma_wait3A_56] : memref<10240x128xf32, #tpu.memory_space<vmem_shared>> -> memref<10240x128xf32, #tpu.memory_space<vmem_shared>>
      tpu.wait_indirect_dma semaphore(%arg17 : memref<!tpu.dma_semaphore, #tpu.memory_space<semaphore_mem>>) src(%arg12 : memref<80x128xf32, #tpu.memory_space<vmem>>) dst(%dma_wait3A_57 : memref<10240x128xf32, #tpu.memory_space<vmem_shared>>)
      %dma_wait3A_58 = arith.constant 24 : i32
      %dma_wait3A_59 = arith.constant 0 : i32
      %dma_wait3A_60 = tpu.memref_slice %arg10[%dma_wait3A_58, %dma_wait3A_59] : memref<25x80xi32, #tpu.memory_space<vmem>> -> memref<1x80xi32, #tpu.memory_space<vmem>>
      %dma_wait3A_61 = tpu.memref_squeeze %dma_wait3A_60 : memref<1x80xi32, #tpu.memory_space<vmem>> -> memref<80xi32, #tpu.memory_space<vmem>>
      %dma_wait3A_62 = arith.constant 0 : i32
      %dma_wait3A_63 = arith.constant 0 : i32
      %dma_wait3A_64 = tpu.memref_slice %arg13[%dma_wait3A_62, %dma_wait3A_63] : memref<10240x128xf32, #tpu.memory_space<vmem_shared>> -> memref<10240x128xf32, #tpu.memory_space<vmem_shared>>
      tpu.wait_indirect_dma semaphore(%arg16 : memref<!tpu.dma_semaphore, #tpu.memory_space<semaphore_mem>>) src(%arg11 : memref<80x128xf32, #tpu.memory_space<vmem>>) dst(%dma_wait3A_64 : memref<10240x128xf32, #tpu.memory_space<vmem_shared>>)
    }
    %scan3A_7 = arith.constant 5 : i32
    %barrier3A_8 = arith.constant 0 : index
    tpu.barrier barrier_id(%barrier3A_8)
    "tpu.region"() ({
      %run_scoped3A = tpu.sem_alloc : memref<!tpu.dma_semaphore, #tpu.memory_space<semaphore_mem>>
      %dma_start3A = arith.constant 0 : i32
      %dma_start3A_18 = tpu.memref_slice %arg7[%arg0, %mul3A_2, %dma_start3A] : memref<2x10240x128xf32, #tpu.memory_space<hbm>> -> memref<1x640x128xf32, #tpu.memory_space<hbm>>
      %dma_start3A_19 = tpu.memref_squeeze %dma_start3A_18 : memref<1x640x128xf32, #tpu.memory_space<hbm>> -> memref<640x128xf32, #tpu.memory_space<hbm>>
      %dma_start3A_20 = arith.constant 0 : i32
      %dma_start3A_21 = tpu.memref_slice %arg13[%mul3A_2, %dma_start3A_20] : memref<10240x128xf32, #tpu.memory_space<vmem_shared>> -> memref<640x128xf32, #tpu.memory_space<vmem_shared>>
      tpu.enqueue_dma source(%dma_start3A_21 : memref<640x128xf32, #tpu.memory_space<vmem_shared>>) target(%dma_start3A_19 : memref<640x128xf32, #tpu.memory_space<hbm>>) target_semaphore(%run_scoped3A : memref<!tpu.dma_semaphore, #tpu.memory_space<semaphore_mem>>)
      %dma_wait3A = arith.constant 0 : i32
      %dma_wait3A_22 = tpu.memref_slice %arg7[%arg0, %mul3A_2, %dma_wait3A] : memref<2x10240x128xf32, #tpu.memory_space<hbm>> -> memref<1x640x128xf32, #tpu.memory_space<hbm>>
      %dma_wait3A_23 = tpu.memref_squeeze %dma_wait3A_22 : memref<1x640x128xf32, #tpu.memory_space<hbm>> -> memref<640x128xf32, #tpu.memory_space<hbm>>
      %dma_wait3A_24 = arith.constant 0 : i32
      %dma_wait3A_25 = tpu.memref_slice %arg13[%mul3A_2, %dma_wait3A_24] : memref<10240x128xf32, #tpu.memory_space<vmem_shared>> -> memref<640x128xf32, #tpu.memory_space<vmem_shared>>
      tpu.wait_dma2 semaphore(%run_scoped3A : memref<!tpu.dma_semaphore, #tpu.memory_space<semaphore_mem>>) src(%dma_wait3A_25 : memref<640x128xf32, #tpu.memory_space<vmem_shared>>) dst(%dma_wait3A_23 : memref<640x128xf32, #tpu.memory_space<hbm>>)
      tpu.yield
    }) : () -> ()
    %barrier3A_9 = arith.constant 0 : index
    tpu.barrier barrier_id(%barrier3A_9)
    "tpu.region"() ({
      %run_scoped3A = tpu.sem_alloc : memref<!tpu.dma_semaphore, #tpu.memory_space<semaphore_mem>>
      %dma_start3A = arith.constant 0 : i32
      %dma_start3A_18 = tpu.memref_slice %arg13[%mul3A_2, %dma_start3A] : memref<10240x128xf32, #tpu.memory_space<vmem_shared>> -> memref<640x128xf32, #tpu.memory_space<vmem_shared>>
      %dma_start3A_19 = arith.constant 0 : i32
      %dma_start3A_20 = tpu.memref_slice %arg5[%mul3A_2, %dma_start3A_19] : memref<10240x128xf32, #tpu.memory_space<hbm>> -> memref<640x128xf32, #tpu.memory_space<hbm>>
      tpu.enqueue_dma source(%dma_start3A_20 : memref<640x128xf32, #tpu.memory_space<hbm>>) target(%dma_start3A_18 : memref<640x128xf32, #tpu.memory_space<vmem_shared>>) target_semaphore(%run_scoped3A : memref<!tpu.dma_semaphore, #tpu.memory_space<semaphore_mem>>)
      %dma_wait3A = arith.constant 0 : i32
      %dma_wait3A_21 = tpu.memref_slice %arg13[%mul3A_2, %dma_wait3A] : memref<10240x128xf32, #tpu.memory_space<vmem_shared>> -> memref<640x128xf32, #tpu.memory_space<vmem_shared>>
      %dma_wait3A_22 = arith.constant 0 : i32
      %dma_wait3A_23 = tpu.memref_slice %arg5[%mul3A_2, %dma_wait3A_22] : memref<10240x128xf32, #tpu.memory_space<hbm>> -> memref<640x128xf32, #tpu.memory_space<hbm>>
      tpu.wait_dma2 semaphore(%run_scoped3A : memref<!tpu.dma_semaphore, #tpu.memory_space<semaphore_mem>>) src(%dma_wait3A_23 : memref<640x128xf32, #tpu.memory_space<hbm>>) dst(%dma_wait3A_21 : memref<640x128xf32, #tpu.memory_space<vmem_shared>>)
      tpu.yield
    }) : () -> ()
    "tpu.region"() ({
      %run_scoped3A = tpu.sem_alloc : memref<!tpu.dma_semaphore, #tpu.memory_space<semaphore_mem>>
      tpu.enqueue_dma source(%arg6 : memref<80x128xf32, #tpu.memory_space<hbm>>) target(%arg11 : memref<80x128xf32, #tpu.memory_space<vmem>>) target_semaphore(%run_scoped3A : memref<!tpu.dma_semaphore, #tpu.memory_space<semaphore_mem>>)
      tpu.wait_dma2 semaphore(%run_scoped3A : memref<!tpu.dma_semaphore, #tpu.memory_space<semaphore_mem>>) src(%arg6 : memref<80x128xf32, #tpu.memory_space<hbm>>) dst(%arg11 : memref<80x128xf32, #tpu.memory_space<vmem>>)
      tpu.yield
    }) : () -> ()
    %barrier3A_10 = arith.constant 0 : index
    tpu.barrier barrier_id(%barrier3A_10)
    %scan3A_11 = arith.constant 0 : i32
    %scan3A_12 = arith.constant 0 : i32
    %scan3A_13 = arith.constant 5 : i32
    %scan3A_14 = arith.addi %scan3A_12, %scan3A_13 : i32
    %scan3A_15 = arith.constant 1 : i32
    scf.for %scan3A_18 = %scan3A_12 to %scan3A_14 step %scan3A_15  : i32 {
      "tpu.region"() ({
        %run_scoped3A = tpu.sem_alloc : memref<!tpu.dma_semaphore, #tpu.memory_space<semaphore_mem>>
        %dma_start3A = arith.constant 0 : i32
        %dma_start3A_59 = arith.constant 0 : i32
        %dma_start3A_60 = tpu.memref_slice %arg4[%add3A, %scan3A_18, %dma_start3A, %dma_start3A_59] : memref<32x5x25x80xi32, #tpu.memory_space<hbm>> -> memref<1x1x25x80xi32, #tpu.memory_space<hbm>>
        %dma_start3A_61 = tpu.memref_squeeze %dma_start3A_60 : memref<1x1x25x80xi32, #tpu.memory_space<hbm>> -> memref<25x80xi32, #tpu.memory_space<hbm>>
        %dma_start3A_62 = arith.constant 0 : i32
        %dma_start3A_63 = arith.constant 0 : i32
        %dma_start3A_64 = tpu.memref_slice %arg4[%add3A, %scan3A_18, %dma_start3A_62, %dma_start3A_63] : memref<32x5x25x80xi32, #tpu.memory_space<hbm>> -> memref<1x1x25x80xi32, #tpu.memory_space<hbm>>
        %dma_start3A_65 = tpu.memref_squeeze %dma_start3A_64 : memref<1x1x25x80xi32, #tpu.memory_space<hbm>> -> memref<25x80xi32, #tpu.memory_space<hbm>>
        tpu.enqueue_dma source(%dma_start3A_65 : memref<25x80xi32, #tpu.memory_space<hbm>>) target(%arg10 : memref<25x80xi32, #tpu.memory_space<vmem>>) target_semaphore(%run_scoped3A : memref<!tpu.dma_semaphore, #tpu.memory_space<semaphore_mem>>)
        %dma_wait3A_66 = arith.constant 0 : i32
        %dma_wait3A_67 = arith.constant 0 : i32
        %dma_wait3A_68 = tpu.memref_slice %arg4[%add3A, %scan3A_18, %dma_wait3A_66, %dma_wait3A_67] : memref<32x5x25x80xi32, #tpu.memory_space<hbm>> -> memref<1x1x25x80xi32, #tpu.memory_space<hbm>>
        %dma_wait3A_69 = tpu.memref_squeeze %dma_wait3A_68 : memref<1x1x25x80xi32, #tpu.memory_space<hbm>> -> memref<25x80xi32, #tpu.memory_space<hbm>>
        %dma_wait3A_70 = arith.constant 0 : i32
        %dma_wait3A_71 = arith.constant 0 : i32
        %dma_wait3A_72 = tpu.memref_slice %arg4[%add3A, %scan3A_18, %dma_wait3A_70, %dma_wait3A_71] : memref<32x5x25x80xi32, #tpu.memory_space<hbm>> -> memref<1x1x25x80xi32, #tpu.memory_space<hbm>>
        %dma_wait3A_73 = tpu.memref_squeeze %dma_wait3A_72 : memref<1x1x25x80xi32, #tpu.memory_space<hbm>> -> memref<25x80xi32, #tpu.memory_space<hbm>>
        tpu.wait_dma2 semaphore(%run_scoped3A : memref<!tpu.dma_semaphore, #tpu.memory_space<semaphore_mem>>) src(%dma_wait3A_73 : memref<25x80xi32, #tpu.memory_space<hbm>>) dst(%arg10 : memref<25x80xi32, #tpu.memory_space<vmem>>)
        tpu.yield
      }) : () -> ()
      %scan3A_19 = arith.constant 0 : i32
      %scan3A_20 = arith.constant 0 : i32
      %scan3A_21 = arith.constant 5 : i32
      %scan3A_22 = arith.addi %scan3A_20, %scan3A_21 : i32
      %scan3A_23 = arith.constant 1 : i32
      scf.for %scan3A_59 = %scan3A_20 to %scan3A_22 step %scan3A_23  : i32 {
        %mul3A_60 = arith.constant 5 : i32
        %mul3A_61 = arith.muli %scan3A_59, %mul3A_60 : i32
        %add3A_62 = arith.constant 0 : i32
        %add3A_63 = arith.addi %mul3A_61, %add3A_62 : i32
        %gt3A = arith.constant 0 : i32
        %gt3A_64 = arith.cmpi sgt, %scan3A_59, %gt3A : i32
        %convert_element_type3A = arith.extui %gt3A_64 : i1 to i32
        %cond3A = arith.constant 0 : i32
        %cond3A_65 = arith.cmpi ne, %convert_element_type3A, %cond3A : i32
        scf.if %cond3A_65 {
          %sub3A = arith.constant 5 : i32
          %sub3A_131 = arith.subi %add3A_63, %sub3A : i32
          %dma_wait3A_132 = arith.constant 0 : i32
          %dma_wait3A_133 = tpu.memref_slice %arg10[%sub3A_131, %dma_wait3A_132] : memref<25x80xi32, #tpu.memory_space<vmem>> -> memref<1x80xi32, #tpu.memory_space<vmem>>
          %dma_wait3A_134 = tpu.memref_squeeze %dma_wait3A_133 : memref<1x80xi32, #tpu.memory_space<vmem>> -> memref<80xi32, #tpu.memory_space<vmem>>
          %dma_wait3A_135 = arith.constant 0 : i32
          %dma_wait3A_136 = arith.constant 0 : i32
          %dma_wait3A_137 = tpu.memref_slice %arg13[%dma_wait3A_135, %dma_wait3A_136] : memref<10240x128xf32, #tpu.memory_space<vmem_shared>> -> memref<10240x128xf32, #tpu.memory_space<vmem_shared>>
          tpu.wait_indirect_dma semaphore(%arg18 : memref<!tpu.dma_semaphore, #tpu.memory_space<semaphore_mem>>) src(%arg11 : memref<80x128xf32, #tpu.memory_space<vmem>>) dst(%dma_wait3A_137 : memref<10240x128xf32, #tpu.memory_space<vmem_shared>>)
        } else {
        }
        %dma_start3A = arith.constant 0 : i32
        %dma_start3A_66 = tpu.memref_slice %arg10[%add3A_63, %dma_start3A] : memref<25x80xi32, #tpu.memory_space<vmem>> -> memref<1x80xi32, #tpu.memory_space<vmem>>
        %dma_start3A_67 = tpu.memref_squeeze %dma_start3A_66 : memref<1x80xi32, #tpu.memory_space<vmem>> -> memref<80xi32, #tpu.memory_space<vmem>>
        %dma_start3A_68 = arith.constant 0 : i32
        %dma_start3A_69 = arith.constant 0 : i32
        %dma_start3A_70 = tpu.memref_slice %arg13[%dma_start3A_68, %dma_start3A_69] : memref<10240x128xf32, #tpu.memory_space<vmem_shared>> -> memref<10240x128xf32, #tpu.memory_space<vmem_shared>>
        tpu.enqueue_indirect_dma source(%arg11 : memref<80x128xf32, #tpu.memory_space<vmem>>) target(%dma_start3A_70 : memref<10240x128xf32, #tpu.memory_space<vmem_shared>>) offsets(%dma_start3A_67 : memref<80xi32, #tpu.memory_space<vmem>>) semaphore(%arg18 : memref<!tpu.dma_semaphore, #tpu.memory_space<semaphore_mem>>) {add = true}
        %mul3A_71 = arith.constant 5 : i32
        %mul3A_72 = arith.muli %scan3A_59, %mul3A_71 : i32
        %add3A_73 = arith.constant 1 : i32
        %add3A_74 = arith.addi %mul3A_72, %add3A_73 : i32
        %gt3A_75 = arith.constant 0 : i32
        %gt3A_76 = arith.cmpi sgt, %scan3A_59, %gt3A_75 : i32
        %convert_element_type3A_77 = arith.extui %gt3A_76 : i1 to i32
        %cond3A_78 = arith.constant 0 : i32
        %cond3A_79 = arith.cmpi ne, %convert_element_type3A_77, %cond3A_78 : i32
        scf.if %cond3A_79 {
          %sub3A = arith.constant 5 : i32
          %sub3A_131 = arith.subi %add3A_74, %sub3A : i32
          %dma_wait3A_132 = arith.constant 0 : i32
          %dma_wait3A_133 = tpu.memref_slice %arg10[%sub3A_131, %dma_wait3A_132] : memref<25x80xi32, #tpu.memory_space<vmem>> -> memref<1x80xi32, #tpu.memory_space<vmem>>
          %dma_wait3A_134 = tpu.memref_squeeze %dma_wait3A_133 : memref<1x80xi32, #tpu.memory_space<vmem>> -> memref<80xi32, #tpu.memory_space<vmem>>
          %dma_wait3A_135 = arith.constant 0 : i32
          %dma_wait3A_136 = arith.constant 0 : i32
          %dma_wait3A_137 = tpu.memref_slice %arg13[%dma_wait3A_135, %dma_wait3A_136] : memref<10240x128xf32, #tpu.memory_space<vmem_shared>> -> memref<10240x128xf32, #tpu.memory_space<vmem_shared>>
          tpu.wait_indirect_dma semaphore(%arg19 : memref<!tpu.dma_semaphore, #tpu.memory_space<semaphore_mem>>) src(%arg11 : memref<80x128xf32, #tpu.memory_space<vmem>>) dst(%dma_wait3A_137 : memref<10240x128xf32, #tpu.memory_space<vmem_shared>>)
        } else {
        }
        %dma_start3A_80 = arith.constant 0 : i32
        %dma_start3A_81 = tpu.memref_slice %arg10[%add3A_74, %dma_start3A_80] : memref<25x80xi32, #tpu.memory_space<vmem>> -> memref<1x80xi32, #tpu.memory_space<vmem>>
        %dma_start3A_82 = tpu.memref_squeeze %dma_start3A_81 : memref<1x80xi32, #tpu.memory_space<vmem>> -> memref<80xi32, #tpu.memory_space<vmem>>
        %dma_start3A_83 = arith.constant 0 : i32
        %dma_start3A_84 = arith.constant 0 : i32
        %dma_start3A_85 = tpu.memref_slice %arg13[%dma_start3A_83, %dma_start3A_84] : memref<10240x128xf32, #tpu.memory_space<vmem_shared>> -> memref<10240x128xf32, #tpu.memory_space<vmem_shared>>
        tpu.enqueue_indirect_dma source(%arg11 : memref<80x128xf32, #tpu.memory_space<vmem>>) target(%dma_start3A_85 : memref<10240x128xf32, #tpu.memory_space<vmem_shared>>) offsets(%dma_start3A_82 : memref<80xi32, #tpu.memory_space<vmem>>) semaphore(%arg19 : memref<!tpu.dma_semaphore, #tpu.memory_space<semaphore_mem>>) {add = true}
        %mul3A_86 = arith.constant 5 : i32
        %mul3A_87 = arith.muli %scan3A_59, %mul3A_86 : i32
        %add3A_88 = arith.constant 2 : i32
        %add3A_89 = arith.addi %mul3A_87, %add3A_88 : i32
        %gt3A_90 = arith.constant 0 : i32
        %gt3A_91 = arith.cmpi sgt, %scan3A_59, %gt3A_90 : i32
        %convert_element_type3A_92 = arith.extui %gt3A_91 : i1 to i32
        %cond3A_93 = arith.constant 0 : i32
        %cond3A_94 = arith.cmpi ne, %convert_element_type3A_92, %cond3A_93 : i32
        scf.if %cond3A_94 {
          %sub3A = arith.constant 5 : i32
          %sub3A_131 = arith.subi %add3A_89, %sub3A : i32
          %dma_wait3A_132 = arith.constant 0 : i32
          %dma_wait3A_133 = tpu.memref_slice %arg10[%sub3A_131, %dma_wait3A_132] : memref<25x80xi32, #tpu.memory_space<vmem>> -> memref<1x80xi32, #tpu.memory_space<vmem>>
          %dma_wait3A_134 = tpu.memref_squeeze %dma_wait3A_133 : memref<1x80xi32, #tpu.memory_space<vmem>> -> memref<80xi32, #tpu.memory_space<vmem>>
          %dma_wait3A_135 = arith.constant 0 : i32
          %dma_wait3A_136 = arith.constant 0 : i32
          %dma_wait3A_137 = tpu.memref_slice %arg13[%dma_wait3A_135, %dma_wait3A_136] : memref<10240x128xf32, #tpu.memory_space<vmem_shared>> -> memref<10240x128xf32, #tpu.memory_space<vmem_shared>>
          tpu.wait_indirect_dma semaphore(%arg20 : memref<!tpu.dma_semaphore, #tpu.memory_space<semaphore_mem>>) src(%arg11 : memref<80x128xf32, #tpu.memory_space<vmem>>) dst(%dma_wait3A_137 : memref<10240x128xf32, #tpu.memory_space<vmem_shared>>)
        } else {
        }
        %dma_start3A_95 = arith.constant 0 : i32
        %dma_start3A_96 = tpu.memref_slice %arg10[%add3A_89, %dma_start3A_95] : memref<25x80xi32, #tpu.memory_space<vmem>> -> memref<1x80xi32, #tpu.memory_space<vmem>>
        %dma_start3A_97 = tpu.memref_squeeze %dma_start3A_96 : memref<1x80xi32, #tpu.memory_space<vmem>> -> memref<80xi32, #tpu.memory_space<vmem>>
        %dma_start3A_98 = arith.constant 0 : i32
        %dma_start3A_99 = arith.constant 0 : i32
        %dma_start3A_100 = tpu.memref_slice %arg13[%dma_start3A_98, %dma_start3A_99] : memref<10240x128xf32, #tpu.memory_space<vmem_shared>> -> memref<10240x128xf32, #tpu.memory_space<vmem_shared>>
        tpu.enqueue_indirect_dma source(%arg11 : memref<80x128xf32, #tpu.memory_space<vmem>>) target(%dma_start3A_100 : memref<10240x128xf32, #tpu.memory_space<vmem_shared>>) offsets(%dma_start3A_97 : memref<80xi32, #tpu.memory_space<vmem>>) semaphore(%arg20 : memref<!tpu.dma_semaphore, #tpu.memory_space<semaphore_mem>>) {add = true}
        %mul3A_101 = arith.constant 5 : i32
        %mul3A_102 = arith.muli %scan3A_59, %mul3A_101 : i32
        %add3A_103 = arith.constant 3 : i32
        %add3A_104 = arith.addi %mul3A_102, %add3A_103 : i32
        %gt3A_105 = arith.constant 0 : i32
        %gt3A_106 = arith.cmpi sgt, %scan3A_59, %gt3A_105 : i32
        %convert_element_type3A_107 = arith.extui %gt3A_106 : i1 to i32
        %cond3A_108 = arith.constant 0 : i32
        %cond3A_109 = arith.cmpi ne, %convert_element_type3A_107, %cond3A_108 : i32
        scf.if %cond3A_109 {
          %sub3A = arith.constant 5 : i32
          %sub3A_131 = arith.subi %add3A_104, %sub3A : i32
          %dma_wait3A_132 = arith.constant 0 : i32
          %dma_wait3A_133 = tpu.memref_slice %arg10[%sub3A_131, %dma_wait3A_132] : memref<25x80xi32, #tpu.memory_space<vmem>> -> memref<1x80xi32, #tpu.memory_space<vmem>>
          %dma_wait3A_134 = tpu.memref_squeeze %dma_wait3A_133 : memref<1x80xi32, #tpu.memory_space<vmem>> -> memref<80xi32, #tpu.memory_space<vmem>>
          %dma_wait3A_135 = arith.constant 0 : i32
          %dma_wait3A_136 = arith.constant 0 : i32
          %dma_wait3A_137 = tpu.memref_slice %arg13[%dma_wait3A_135, %dma_wait3A_136] : memref<10240x128xf32, #tpu.memory_space<vmem_shared>> -> memref<10240x128xf32, #tpu.memory_space<vmem_shared>>
          tpu.wait_indirect_dma semaphore(%arg21 : memref<!tpu.dma_semaphore, #tpu.memory_space<semaphore_mem>>) src(%arg11 : memref<80x128xf32, #tpu.memory_space<vmem>>) dst(%dma_wait3A_137 : memref<10240x128xf32, #tpu.memory_space<vmem_shared>>)
        } else {
        }
        %dma_start3A_110 = arith.constant 0 : i32
        %dma_start3A_111 = tpu.memref_slice %arg10[%add3A_104, %dma_start3A_110] : memref<25x80xi32, #tpu.memory_space<vmem>> -> memref<1x80xi32, #tpu.memory_space<vmem>>
        %dma_start3A_112 = tpu.memref_squeeze %dma_start3A_111 : memref<1x80xi32, #tpu.memory_space<vmem>> -> memref<80xi32, #tpu.memory_space<vmem>>
        %dma_start3A_113 = arith.constant 0 : i32
        %dma_start3A_114 = arith.constant 0 : i32
        %dma_start3A_115 = tpu.memref_slice %arg13[%dma_start3A_113, %dma_start3A_114] : memref<10240x128xf32, #tpu.memory_space<vmem_shared>> -> memref<10240x128xf32, #tpu.memory_space<vmem_shared>>
        tpu.enqueue_indirect_dma source(%arg11 : memref<80x128xf32, #tpu.memory_space<vmem>>) target(%dma_start3A_115 : memref<10240x128xf32, #tpu.memory_space<vmem_shared>>) offsets(%dma_start3A_112 : memref<80xi32, #tpu.memory_space<vmem>>) semaphore(%arg21 : memref<!tpu.dma_semaphore, #tpu.memory_space<semaphore_mem>>) {add = true}
        %mul3A_116 = arith.constant 5 : i32
        %mul3A_117 = arith.muli %scan3A_59, %mul3A_116 : i32
        %add3A_118 = arith.constant 4 : i32
        %add3A_119 = arith.addi %mul3A_117, %add3A_118 : i32
        %gt3A_120 = arith.constant 0 : i32
        %gt3A_121 = arith.cmpi sgt, %scan3A_59, %gt3A_120 : i32
        %convert_element_type3A_122 = arith.extui %gt3A_121 : i1 to i32
        %cond3A_123 = arith.constant 0 : i32
        %cond3A_124 = arith.cmpi ne, %convert_element_type3A_122, %cond3A_123 : i32
        scf.if %cond3A_124 {
          %sub3A = arith.constant 5 : i32
          %sub3A_131 = arith.subi %add3A_119, %sub3A : i32
          %dma_wait3A_132 = arith.constant 0 : i32
          %dma_wait3A_133 = tpu.memref_slice %arg10[%sub3A_131, %dma_wait3A_132] : memref<25x80xi32, #tpu.memory_space<vmem>> -> memref<1x80xi32, #tpu.memory_space<vmem>>
          %dma_wait3A_134 = tpu.memref_squeeze %dma_wait3A_133 : memref<1x80xi32, #tpu.memory_space<vmem>> -> memref<80xi32, #tpu.memory_space<vmem>>
          %dma_wait3A_135 = arith.constant 0 : i32
          %dma_wait3A_136 = arith.constant 0 : i32
          %dma_wait3A_137 = tpu.memref_slice %arg13[%dma_wait3A_135, %dma_wait3A_136] : memref<10240x128xf32, #tpu.memory_space<vmem_shared>> -> memref<10240x128xf32, #tpu.memory_space<vmem_shared>>
          tpu.wait_indirect_dma semaphore(%arg22 : memref<!tpu.dma_semaphore, #tpu.memory_space<semaphore_mem>>) src(%arg11 : memref<80x128xf32, #tpu.memory_space<vmem>>) dst(%dma_wait3A_137 : memref<10240x128xf32, #tpu.memory_space<vmem_shared>>)
        } else {
        }
        %dma_start3A_125 = arith.constant 0 : i32
        %dma_start3A_126 = tpu.memref_slice %arg10[%add3A_119, %dma_start3A_125] : memref<25x80xi32, #tpu.memory_space<vmem>> -> memref<1x80xi32, #tpu.memory_space<vmem>>
        %dma_start3A_127 = tpu.memref_squeeze %dma_start3A_126 : memref<1x80xi32, #tpu.memory_space<vmem>> -> memref<80xi32, #tpu.memory_space<vmem>>
        %dma_start3A_128 = arith.constant 0 : i32
        %dma_start3A_129 = arith.constant 0 : i32
        %dma_start3A_130 = tpu.memref_slice %arg13[%dma_start3A_128, %dma_start3A_129] : memref<10240x128xf32, #tpu.memory_space<vmem_shared>> -> memref<10240x128xf32, #tpu.memory_space<vmem_shared>>
        tpu.enqueue_indirect_dma source(%arg11 : memref<80x128xf32, #tpu.memory_space<vmem>>) target(%dma_start3A_130 : memref<10240x128xf32, #tpu.memory_space<vmem_shared>>) offsets(%dma_start3A_127 : memref<80xi32, #tpu.memory_space<vmem>>) semaphore(%arg22 : memref<!tpu.dma_semaphore, #tpu.memory_space<semaphore_mem>>) {add = true}
      }
      %scan3A_24 = arith.constant 5 : i32
      %dma_wait3A = arith.constant 20 : i32
      %dma_wait3A_25 = arith.constant 0 : i32
      %dma_wait3A_26 = tpu.memref_slice %arg10[%dma_wait3A, %dma_wait3A_25] : memref<25x80xi32, #tpu.memory_space<vmem>> -> memref<1x80xi32, #tpu.memory_space<vmem>>
      %dma_wait3A_27 = tpu.memref_squeeze %dma_wait3A_26 : memref<1x80xi32, #tpu.memory_space<vmem>> -> memref<80xi32, #tpu.memory_space<vmem>>
      %dma_wait3A_28 = arith.constant 0 : i32
      %dma_wait3A_29 = arith.constant 0 : i32
      %dma_wait3A_30 = tpu.memref_slice %arg13[%dma_wait3A_28, %dma_wait3A_29] : memref<10240x128xf32, #tpu.memory_space<vmem_shared>> -> memref<10240x128xf32, #tpu.memory_space<vmem_shared>>
      tpu.wait_indirect_dma semaphore(%arg18 : memref<!tpu.dma_semaphore, #tpu.memory_space<semaphore_mem>>) src(%arg11 : memref<80x128xf32, #tpu.memory_space<vmem>>) dst(%dma_wait3A_30 : memref<10240x128xf32, #tpu.memory_space<vmem_shared>>)
      %dma_wait3A_31 = arith.constant 21 : i32
      %dma_wait3A_32 = arith.constant 0 : i32
      %dma_wait3A_33 = tpu.memref_slice %arg10[%dma_wait3A_31, %dma_wait3A_32] : memref<25x80xi32, #tpu.memory_space<vmem>> -> memref<1x80xi32, #tpu.memory_space<vmem>>
      %dma_wait3A_34 = tpu.memref_squeeze %dma_wait3A_33 : memref<1x80xi32, #tpu.memory_space<vmem>> -> memref<80xi32, #tpu.memory_space<vmem>>
      %dma_wait3A_35 = arith.constant 0 : i32
      %dma_wait3A_36 = arith.constant 0 : i32
      %dma_wait3A_37 = tpu.memref_slice %arg13[%dma_wait3A_35, %dma_wait3A_36] : memref<10240x128xf32, #tpu.memory_space<vmem_shared>> -> memref<10240x128xf32, #tpu.memory_space<vmem_shared>>
      tpu.wait_indirect_dma semaphore(%arg19 : memref<!tpu.dma_semaphore, #tpu.memory_space<semaphore_mem>>) src(%arg11 : memref<80x128xf32, #tpu.memory_space<vmem>>) dst(%dma_wait3A_37 : memref<10240x128xf32, #tpu.memory_space<vmem_shared>>)
      %dma_wait3A_38 = arith.constant 22 : i32
      %dma_wait3A_39 = arith.constant 0 : i32
      %dma_wait3A_40 = tpu.memref_slice %arg10[%dma_wait3A_38, %dma_wait3A_39] : memref<25x80xi32, #tpu.memory_space<vmem>> -> memref<1x80xi32, #tpu.memory_space<vmem>>
      %dma_wait3A_41 = tpu.memref_squeeze %dma_wait3A_40 : memref<1x80xi32, #tpu.memory_space<vmem>> -> memref<80xi32, #tpu.memory_space<vmem>>
      %dma_wait3A_42 = arith.constant 0 : i32
      %dma_wait3A_43 = arith.constant 0 : i32
      %dma_wait3A_44 = tpu.memref_slice %arg13[%dma_wait3A_42, %dma_wait3A_43] : memref<10240x128xf32, #tpu.memory_space<vmem_shared>> -> memref<10240x128xf32, #tpu.memory_space<vmem_shared>>
      tpu.wait_indirect_dma semaphore(%arg20 : memref<!tpu.dma_semaphore, #tpu.memory_space<semaphore_mem>>) src(%arg11 : memref<80x128xf32, #tpu.memory_space<vmem>>) dst(%dma_wait3A_44 : memref<10240x128xf32, #tpu.memory_space<vmem_shared>>)
      %dma_wait3A_45 = arith.constant 23 : i32
      %dma_wait3A_46 = arith.constant 0 : i32
      %dma_wait3A_47 = tpu.memref_slice %arg10[%dma_wait3A_45, %dma_wait3A_46] : memref<25x80xi32, #tpu.memory_space<vmem>> -> memref<1x80xi32, #tpu.memory_space<vmem>>
      %dma_wait3A_48 = tpu.memref_squeeze %dma_wait3A_47 : memref<1x80xi32, #tpu.memory_space<vmem>> -> memref<80xi32, #tpu.memory_space<vmem>>
      %dma_wait3A_49 = arith.constant 0 : i32
      %dma_wait3A_50 = arith.constant 0 : i32
      %dma_wait3A_51 = tpu.memref_slice %arg13[%dma_wait3A_49, %dma_wait3A_50] : memref<10240x128xf32, #tpu.memory_space<vmem_shared>> -> memref<10240x128xf32, #tpu.memory_space<vmem_shared>>
      tpu.wait_indirect_dma semaphore(%arg21 : memref<!tpu.dma_semaphore, #tpu.memory_space<semaphore_mem>>) src(%arg11 : memref<80x128xf32, #tpu.memory_space<vmem>>) dst(%dma_wait3A_51 : memref<10240x128xf32, #tpu.memory_space<vmem_shared>>)
      %dma_wait3A_52 = arith.constant 24 : i32
      %dma_wait3A_53 = arith.constant 0 : i32
      %dma_wait3A_54 = tpu.memref_slice %arg10[%dma_wait3A_52, %dma_wait3A_53] : memref<25x80xi32, #tpu.memory_space<vmem>> -> memref<1x80xi32, #tpu.memory_space<vmem>>
      %dma_wait3A_55 = tpu.memref_squeeze %dma_wait3A_54 : memref<1x80xi32, #tpu.memory_space<vmem>> -> memref<80xi32, #tpu.memory_space<vmem>>
      %dma_wait3A_56 = arith.constant 0 : i32
      %dma_wait3A_57 = arith.constant 0 : i32
      %dma_wait3A_58 = tpu.memref_slice %arg13[%dma_wait3A_56, %dma_wait3A_57] : memref<10240x128xf32, #tpu.memory_space<vmem_shared>> -> memref<10240x128xf32, #tpu.memory_space<vmem_shared>>
      tpu.wait_indirect_dma semaphore(%arg22 : memref<!tpu.dma_semaphore, #tpu.memory_space<semaphore_mem>>) src(%arg11 : memref<80x128xf32, #tpu.memory_space<vmem>>) dst(%dma_wait3A_58 : memref<10240x128xf32, #tpu.memory_space<vmem_shared>>)
    }
    %scan3A_16 = arith.constant 5 : i32
    %barrier3A_17 = arith.constant 0 : index
    tpu.barrier barrier_id(%barrier3A_17)
    "tpu.region"() ({
      %run_scoped3A = tpu.sem_alloc : memref<!tpu.dma_semaphore, #tpu.memory_space<semaphore_mem>>
      %dma_start3A = arith.constant 0 : i32
      %dma_start3A_18 = tpu.memref_slice %arg8[%arg0, %mul3A_2, %dma_start3A] : memref<2x10240x128xf32, #tpu.memory_space<hbm>> -> memref<1x640x128xf32, #tpu.memory_space<hbm>>
      %dma_start3A_19 = tpu.memref_squeeze %dma_start3A_18 : memref<1x640x128xf32, #tpu.memory_space<hbm>> -> memref<640x128xf32, #tpu.memory_space<hbm>>
      %dma_start3A_20 = arith.constant 0 : i32
      %dma_start3A_21 = tpu.memref_slice %arg13[%mul3A_2, %dma_start3A_20] : memref<10240x128xf32, #tpu.memory_space<vmem_shared>> -> memref<640x128xf32, #tpu.memory_space<vmem_shared>>
      tpu.enqueue_dma source(%dma_start3A_21 : memref<640x128xf32, #tpu.memory_space<vmem_shared>>) target(%dma_start3A_19 : memref<640x128xf32, #tpu.memory_space<hbm>>) target_semaphore(%run_scoped3A : memref<!tpu.dma_semaphore, #tpu.memory_space<semaphore_mem>>)
      %dma_wait3A = arith.constant 0 : i32
      %dma_wait3A_22 = tpu.memref_slice %arg8[%arg0, %mul3A_2, %dma_wait3A] : memref<2x10240x128xf32, #tpu.memory_space<hbm>> -> memref<1x640x128xf32, #tpu.memory_space<hbm>>
      %dma_wait3A_23 = tpu.memref_squeeze %dma_wait3A_22 : memref<1x640x128xf32, #tpu.memory_space<hbm>> -> memref<640x128xf32, #tpu.memory_space<hbm>>
      %dma_wait3A_24 = arith.constant 0 : i32
      %dma_wait3A_25 = tpu.memref_slice %arg13[%mul3A_2, %dma_wait3A_24] : memref<10240x128xf32, #tpu.memory_space<vmem_shared>> -> memref<640x128xf32, #tpu.memory_space<vmem_shared>>
      tpu.wait_dma2 semaphore(%run_scoped3A : memref<!tpu.dma_semaphore, #tpu.memory_space<semaphore_mem>>) src(%dma_wait3A_25 : memref<640x128xf32, #tpu.memory_space<vmem_shared>>) dst(%dma_wait3A_23 : memref<640x128xf32, #tpu.memory_space<hbm>>)
      tpu.yield
    }) : () -> ()
    return
  }
}

module attributes {stable_mosaic.version = 14 : i64} {
  func.func @_tc1_body(%arg0: memref<10000x128xf32, #tpu.memory_space<vmem>>, %arg1: memref<128x128xf32, #tpu.memory_space<vmem>>, %arg2: memref<1x128xf32, #tpu.memory_space<vmem>>, %arg3: memref<128x128xf32, #tpu.memory_space<vmem>>, %arg4: memref<128x128xf32, #tpu.memory_space<vmem>>, %arg5: memref<10000x128xf32, #tpu.memory_space<vmem>>, %arg6: memref<10000x128xf32, #tpu.memory_space<vmem>>) attributes {dimension_semantics = [], scalar_prefetch = 0 : i64, scratch_operands = 0 : i64, tpu.core_type = #tpu.core_type<tc>} {
    %get3A = arith.constant 0 : index
    %get3A_0 = arith.constant 0 : index
    %get3A_1 = vector.load %arg0[%get3A, %get3A_0] : memref<10000x128xf32, #tpu.memory_space<vmem>>, vector<10000x128xf32>
    %get3A_2 = arith.constant 0 : index
    %get3A_3 = arith.constant 0 : index
    %get3A_4 = vector.load %arg1[%get3A_2, %get3A_3] : memref<128x128xf32, #tpu.memory_space<vmem>>, vector<128x128xf32>
    %dot_general3A = arith.constant dense<0.000000e+00> : vector<10000x128xf32>
    %dot_general3A_5 = tpu.matmul %get3A_1, %get3A_4, %dot_general3A {dimension_numbers = #tpu.dot_dimension_numbers<[1], [0], [0], [1], [0, 0, 1, 1], [], []>, transpose_lhs_hint = false} : vector<10000x128xf32>, vector<128x128xf32>, vector<10000x128xf32> -> vector<10000x128xf32>
    %get3A_6 = arith.constant 0 : index
    %get3A_7 = arith.constant 0 : index
    %get3A_8 = vector.load %arg2[%get3A_6, %get3A_7] : memref<1x128xf32, #tpu.memory_space<vmem>>, vector<1x128xf32>
    %add3A = vector.broadcast %get3A_8 : vector<1x128xf32> to vector<10000x128xf32>
    %add3A_9 = arith.addf %dot_general3A_5, %add3A : vector<10000x128xf32>
    %get3A_10 = arith.constant 0 : index
    %get3A_11 = arith.constant 0 : index
    %get3A_12 = vector.load %arg3[%get3A_10, %get3A_11] : memref<128x128xf32, #tpu.memory_space<vmem>>, vector<128x128xf32>
    %dot_general3A_13 = arith.constant dense<0.000000e+00> : vector<10000x128xf32>
    %dot_general3A_14 = tpu.matmul %add3A_9, %get3A_12, %dot_general3A_13 {dimension_numbers = #tpu.dot_dimension_numbers<[1], [0], [0], [1], [0, 0, 1, 1], [], []>, transpose_lhs_hint = false} : vector<10000x128xf32>, vector<128x128xf32>, vector<10000x128xf32> -> vector<10000x128xf32>
    %swap3A = arith.constant 0 : index
    %swap3A_15 = arith.constant 0 : index
    %swap3A_16 = vector.load %arg5[%swap3A, %swap3A_15] : memref<10000x128xf32, #tpu.memory_space<vmem>>, vector<10000x128xf32>
    tpu.vector_store %arg5[%swap3A, %swap3A_15], %dot_general3A_14 {strides = array<i32>} : memref<10000x128xf32, #tpu.memory_space<vmem>>, vector<10000x128xf32>,
    %get3A_17 = arith.constant 0 : index
    %get3A_18 = arith.constant 0 : index
    %get3A_19 = vector.load %arg4[%get3A_17, %get3A_18] : memref<128x128xf32, #tpu.memory_space<vmem>>, vector<128x128xf32>
    %dot_general3A_20 = arith.constant dense<0.000000e+00> : vector<10000x128xf32>
    %dot_general3A_21 = tpu.matmul %add3A_9, %get3A_19, %dot_general3A_20 {dimension_numbers = #tpu.dot_dimension_numbers<[1], [0], [0], [1], [0, 0, 1, 1], [], []>, transpose_lhs_hint = false} : vector<10000x128xf32>, vector<128x128xf32>, vector<10000x128xf32> -> vector<10000x128xf32>
    %swap3A_22 = arith.constant 0 : index
    %swap3A_23 = arith.constant 0 : index
    %swap3A_24 = vector.load %arg6[%swap3A_22, %swap3A_23] : memref<10000x128xf32, #tpu.memory_space<vmem>>, vector<10000x128xf32>
    tpu.vector_store %arg6[%swap3A_22, %swap3A_23], %dot_general3A_21 {strides = array<i32>} : memref<10000x128xf32, #tpu.memory_space<vmem>>, vector<10000x128xf32>,
    return
  }
}

module attributes {stable_mosaic.version = 14 : i64} {
  func.func @_tc2_body(%arg0: memref<2x10240x128xf32, #tpu.memory_space<vmem>>, %arg1: memref<2x10240x128xf32, #tpu.memory_space<vmem>>, %arg2: memref<10000x128xf32, #tpu.memory_space<vmem>>, %arg3: memref<1x128xf32, #tpu.memory_space<vmem>>, %arg4: memref<128x128xf32, #tpu.memory_space<vmem>>, %arg5: memref<10000x128xf32, #tpu.memory_space<vmem>>, %arg6: memref<10000x128xf32, #tpu.memory_space<vmem>>) attributes {dimension_semantics = [], scalar_prefetch = 0 : i64, scratch_operands = 0 : i64, tpu.core_type = #tpu.core_type<tc>} {
    %get3A = arith.constant 0 : index
    %get3A_0 = arith.constant 0 : index
    %get3A_1 = arith.constant 0 : index
    %get3A_2 = vector.load %arg0[%get3A, %get3A_0, %get3A_1] : memref<2x10240x128xf32, #tpu.memory_space<vmem>>, vector<1x10000x128xf32>
    %get3A_3 = vector.shape_cast %get3A_2 : vector<1x10000x128xf32> to vector<10000x128xf32>
    %get3A_4 = arith.constant 1 : index
    %get3A_5 = arith.constant 0 : index
    %get3A_6 = arith.constant 0 : index
    %get3A_7 = vector.load %arg0[%get3A_4, %get3A_5, %get3A_6] : memref<2x10240x128xf32, #tpu.memory_space<vmem>>, vector<1x10000x128xf32>
    %get3A_8 = vector.shape_cast %get3A_7 : vector<1x10000x128xf32> to vector<10000x128xf32>
    %add3A = arith.addf %get3A_3, %get3A_8 : vector<10000x128xf32>
    %get3A_9 = arith.constant 0 : index
    %get3A_10 = arith.constant 0 : index
    %get3A_11 = arith.constant 0 : index
    %get3A_12 = vector.load %arg1[%get3A_9, %get3A_10, %get3A_11] : memref<2x10240x128xf32, #tpu.memory_space<vmem>>, vector<1x10000x1xf32>
    %get3A_13 = vector.shape_cast %get3A_12 : vector<1x10000x1xf32> to vector<10000x1xf32>
    %get3A_14 = arith.constant 1 : index
    %get3A_15 = arith.constant 0 : index
    %get3A_16 = arith.constant 0 : index
    %get3A_17 = vector.load %arg1[%get3A_14, %get3A_15, %get3A_16] : memref<2x10240x128xf32, #tpu.memory_space<vmem>>, vector<1x10000x1xf32>
    %get3A_18 = vector.shape_cast %get3A_17 : vector<1x10000x1xf32> to vector<10000x1xf32>
    %add3A_19 = arith.addf %get3A_13, %get3A_18 : vector<10000x1xf32>
    %max3A = arith.constant 1.000000e+00 : f32
    %max3A_20 = vector.broadcast %max3A : f32 to vector<10000x1xf32>
    %max3A_21 = arith.maximumf %add3A_19, %max3A_20 : vector<10000x1xf32>
    %div3A = vector.broadcast %max3A_21 : vector<10000x1xf32> to vector<10000x128xf32>
    %div3A_22 = arith.divf %add3A, %div3A : vector<10000x128xf32>
    %get3A_23 = arith.constant 0 : index
    %get3A_24 = arith.constant 0 : index
    %get3A_25 = vector.load %arg3[%get3A_23, %get3A_24] : memref<1x128xf32, #tpu.memory_space<vmem>>, vector<1x128xf32>
    %add3A_26 = vector.broadcast %get3A_25 : vector<1x128xf32> to vector<10000x128xf32>
    %add3A_27 = arith.addf %div3A_22, %add3A_26 : vector<10000x128xf32>
    %get3A_28 = arith.constant 0 : index
    %get3A_29 = arith.constant 0 : index
    %get3A_30 = vector.load %arg2[%get3A_28, %get3A_29] : memref<10000x128xf32, #tpu.memory_space<vmem>>, vector<10000x128xf32>
    %add3A_31 = arith.addf %add3A_27, %get3A_30 : vector<10000x128xf32>
    %swap3A = arith.constant 0 : index
    %swap3A_32 = arith.constant 0 : index
    %swap3A_33 = vector.load %arg5[%swap3A, %swap3A_32] : memref<10000x128xf32, #tpu.memory_space<vmem>>, vector<10000x128xf32>
    tpu.vector_store %arg5[%swap3A, %swap3A_32], %add3A_31 {strides = array<i32>} : memref<10000x128xf32, #tpu.memory_space<vmem>>, vector<10000x128xf32>,
    %get3A_34 = arith.constant 0 : index
    %get3A_35 = arith.constant 0 : index
    %get3A_36 = vector.load %arg4[%get3A_34, %get3A_35] : memref<128x128xf32, #tpu.memory_space<vmem>>, vector<128x128xf32>
    %dot_general3A = arith.constant dense<0.000000e+00> : vector<10000x128xf32>
    %dot_general3A_37 = tpu.matmul %add3A_31, %get3A_36, %dot_general3A {dimension_numbers = #tpu.dot_dimension_numbers<[1], [0], [0], [1], [0, 0, 1, 1], [], []>, transpose_lhs_hint = false} : vector<10000x128xf32>, vector<128x128xf32>, vector<10000x128xf32> -> vector<10000x128xf32>
    %swap3A_38 = arith.constant 0 : index
    %swap3A_39 = arith.constant 0 : index
    %swap3A_40 = vector.load %arg6[%swap3A_38, %swap3A_39] : memref<10000x128xf32, #tpu.memory_space<vmem>>, vector<10000x128xf32>
    tpu.vector_store %arg6[%swap3A_38, %swap3A_39], %dot_general3A_37 {strides = array<i32>} : memref<10000x128xf32, #tpu.memory_space<vmem>>, vector<10000x128xf32>,
    return
  }
}

module attributes {stable_mosaic.version = 14 : i64} {
  func.func @_tc3_body(%arg0: memref<40000x128xf32, #tpu.memory_space<vmem>>, %arg1: memref<1x1xf32, #tpu.memory_space<vmem>>, %arg2: memref<40000x8xf32, #tpu.memory_space<vmem>>) attributes {dimension_semantics = [], scalar_prefetch = 0 : i64, scratch_operands = 0 : i64, tpu.core_type = #tpu.core_type<tc>} {
    %iota3A = tpu.iota {dimensions = array<i32: 0>} : vector<128x8xi32>
    %iota3A_0 = tpu.iota {dimensions = array<i32: 1>} : vector<128x8xi32>
    %jit3A = arith.constant 16 : i32
    %div3A = vector.broadcast %jit3A : i32 to vector<128x8xi32>
    %div3A_1 = arith.divsi %iota3A, %div3A : vector<128x8xi32>
    %sign3A = arith.constant 0 : i32
    %sign3A_2 = vector.broadcast %sign3A : i32 to vector<128x8xi32>
    %sign3A_3 = arith.cmpi sgt, %iota3A, %sign3A_2 : vector<128x8xi32>
    %sign3A_4 = arith.extui %sign3A_3 : vector<128x8xi1> to vector<128x8xi32>
    %sign3A_5 = arith.constant 0 : i32
    %sign3A_6 = vector.broadcast %sign3A_5 : i32 to vector<128x8xi32>
    %sign3A_7 = arith.cmpi slt, %iota3A, %sign3A_6 : vector<128x8xi32>
    %sign3A_8 = arith.extui %sign3A_7 : vector<128x8xi1> to vector<128x8xi32>
    %sign3A_9 = arith.subi %sign3A_4, %sign3A_8 : vector<128x8xi32>
    %sign3A_10 = arith.constant 0 : i32
    %sign3A_11 = arith.cmpi sgt, %jit3A, %sign3A_10 : i32
    %sign3A_12 = arith.extui %sign3A_11 : i1 to i32
    %sign3A_13 = arith.constant 0 : i32
    %sign3A_14 = arith.cmpi slt, %jit3A, %sign3A_13 : i32
    %sign3A_15 = arith.extui %sign3A_14 : i1 to i32
    %sign3A_16 = arith.subi %sign3A_12, %sign3A_15 : i32
    %ne3A = vector.broadcast %sign3A_16 : i32 to vector<128x8xi32>
    %ne3A_17 = arith.cmpi ne, %sign3A_9, %ne3A : vector<128x8xi32>
    %rem3A = vector.broadcast %jit3A : i32 to vector<128x8xi32>
    %rem3A_18 = arith.remsi %iota3A, %rem3A : vector<128x8xi32>
    %ne3A_19 = arith.constant 0 : i32
    %ne3A_20 = vector.broadcast %ne3A_19 : i32 to vector<128x8xi32>
    %ne3A_21 = arith.cmpi ne, %rem3A_18, %ne3A_20 : vector<128x8xi32>
    %and3A = arith.andi %ne3A_17, %ne3A_21 : vector<128x8xi1>
    %sub3A = arith.constant 1 : i32
    %sub3A_22 = vector.broadcast %sub3A : i32 to vector<128x8xi32>
    %sub3A_23 = arith.subi %div3A_1, %sub3A_22 : vector<128x8xi32>
    %select_n3A = arith.select %and3A, %sub3A_23, %div3A_1 : vector<128x8xi1>, vector<128x8xi32>
    %eq3A = arith.cmpi eq, %select_n3A, %iota3A_0 : vector<128x8xi32>
    %convert_element_type3A = arith.extui %eq3A : vector<128x8xi1> to vector<128x8xi32>
    %convert_element_type3A_24 = arith.sitofp %convert_element_type3A : vector<128x8xi32> to vector<128x8xf32>
    %get3A = arith.constant 0 : index
    %get3A_25 = arith.constant 0 : index
    %get3A_26 = vector.load %arg0[%get3A, %get3A_25] : memref<40000x128xf32, #tpu.memory_space<vmem>>, vector<40000x128xf32>
    %dot_general3A = arith.constant dense<0.000000e+00> : vector<40000x8xf32>
    %dot_general3A_27 = tpu.matmul %get3A_26, %convert_element_type3A_24, %dot_general3A {dimension_numbers = #tpu.dot_dimension_numbers<[1], [0], [0], [1], [0, 0, 1, 1], [], []>, transpose_lhs_hint = false} : vector<40000x128xf32>, vector<128x8xf32>, vector<40000x8xf32> -> vector<40000x8xf32>
    %get3A_28 = arith.constant 0 : index
    %get3A_29 = arith.constant 0 : index
    %get3A_30 = vector.load %arg1[%get3A_28, %get3A_29] : memref<1x1xf32, #tpu.memory_space<vmem>>, vector<1x1xf32>
    %add3A = vector.broadcast %get3A_30 : vector<1x1xf32> to vector<40000x8xf32>
    %add3A_31 = arith.addf %dot_general3A_27, %add3A : vector<40000x8xf32>
    %swap3A = arith.constant 0 : index
    %swap3A_32 = arith.constant 0 : index
    %swap3A_33 = vector.load %arg2[%swap3A, %swap3A_32] : memref<40000x8xf32, #tpu.memory_space<vmem>>, vector<40000x8xf32>
    tpu.vector_store %arg2[%swap3A, %swap3A_32], %add3A_31 {strides = array<i32>} : memref<40000x8xf32, #tpu.memory_space<vmem>>, vector<40000x8xf32>,
    return
  }
}

</mosaic_0001>

<sc_bundles>
// kernel: kernel.10.cloned.1.call-start
scs
__scs_entry_jumppad:
0x0: {  	(pc) =	sbr.rel $0x88, $3  }
0x1: {  	(tag) =	ssettag $0x0;
	lr =	simm.s32 $0x1  }
0x2: {  	[smem:$0x3F97] =	sst lr;
	_ =	strace $0xD0000000  }
0x3: {  	_ = 	snop  }
0x4: {  	_ = 	snop  }
0x5: {  	_ = 	snop  }
0x6: {  	_ = 	snop  }
0x7: {  	_ = 	snop  }
__scs_overlays_trampoline_lowered:
0x8: {  	[smem:$0x3FA6] =	sst s0  }
0x9: {  	[smem:$0x3FA7] =	sst s1  }
0xa: {  	[smem:$0x3FA8] =	sst s2  }
0xb: {  	[smem:$0x3FA9] =	sst s3  }
0xc: {  	[smem:$0x3FAA] =	sst s4  }
0xd: {  	[smem:$0x3FAB] =	sst s5  }
0xe: {  	[smem:$0x3FAC] =	sst s6  }
0xf: {  	[smem:$0x3FAD] =	sst s7  }
0x10: {  	[smem:$0x3FAE] =	sst s8  }
0x11: {  	[smem:$0x3FAF] =	sst s9;
	s0 =	simm.s32 @!p0 $0x0  }
0x12: {  	s1 =	sld [smem:$0x3F95];
	s0 =	simm.s32 @p0 $0x1  }
0x13: {  	[smem:$0x3FB0] =	sst s0;
	s0 =	simm.s32 @!p1 $0x0  }
0x14: {  	s2 =	sld [smem:$0x3F94];
	s0 =	simm.s32 @p1 $0x1  }
0x15: {  	[smem:$0x3FB1] =	sst s0;
	s0 =	simm.s32 @!p2 $0x0  }
0x16: {  	s3 =	sld [smem:$0x3FDB];
	s0 =	simm.s32 @p2 $0x1  }
0x17: {  	s4 =	simm.s32 $0x1BF5;
	[smem:$0x3FB3] =	sst s0  }
0x18: {  	s0 =	sld [smem:$0x3F96];
	_ =	swait.ge [sflag:s4], $0x0  }
0x19: {  	s7 =	sld [smem:$0x3F97]  }
0x1a: {  	s8 =	sadd.s32 $0xFFFFE003, lr  }
0x1b: {  	s9 =	sadd.s32 $0xFFFFFEF7, lr;
	s5 =	simm.s32 $0xFFFFFFFF;
	p2 =	slt.u32 s8, $0xFFFFF086  }
0x1c: {  	p1 =	slt.u32 s9, $0xF7A;
	s5 =	simm.s32 @!p2 $0x0  }
0x1d: {  	s5 =	simm.s32 @p1 $0x1;
	p0 =	seq.s32 s7, s2  }
0x1e: {  	s7 =	smul.u32 @!p0 $0xF7A, s2;
	p2 =	seq.s32 @!p0 s5, $0x0  }
0x1f: {  	s9 =	smul.u32 $0xF7A, s1;
	s8 =	simm.s32 @!p0 $0x1BF5;
	p2 =	por !p2, p0  }
0x20: {  	[sflag:s8] =	ssyncset.s32 @!p0 $0xFFFFF086;
	s6 =	sadd.s32 @!p0 s3, s7;
	s7 =	simm.s32 @!p0 $0x108  }
0x21: {  	s3 =	sadd.s32 s3, s9;
	s6 =	sadd.s32 @!p0 $0x88, s6;
	s7 =	simm.s32 @p2 $0x1082  }
0x22: {  	[simem:s7], [sflag:s8] =	dma.local @!p0 [hbm:s6], $0xF7A  }
0x23: {  	s9 =	sor.u32 $0xD0000000, s2;
	s6 =	simm.s32 $0x108;
	_ =	swait.ge @!p0 [sflag:s8], $0x0  }
0x24: {  	s3 =	sadd.s32 $0x88, s3;
	s6 =	simm.s32 @!p1 $0x1082;
	[sflag:s4] =	ssyncset.s32 $0xFFFFF086  }
0x25: {  	[simem:s6], [sflag:s4] =	dma.local [hbm:s3], $0xF7A  }
0x26: {  	[smem:$0x3F97] =	sst s1;
	(tag) =	ssettag s2;
	_ =	strace s9  }
0x27: {  	s1 =	sld [smem:$0x3FA7]  }
0x28: {  	s2 =	sld [smem:$0x3FA8]  }
0x29: {  	s4 =	sld [smem:$0x3FAA]  }
0x2a: {  	p0 =	seq.s32 s5, $0x0;
	s5 =	sld [smem:$0x3FAB]  }
0x2b: {  	s6 =	sld [smem:$0x3FAC]  }
0x2c: {  	s7 =	sld [smem:$0x3FAD]  }
0x2d: {  	s3 =	simm.s32 $0x108;
	s8 =	sld [smem:$0x3FAE]  }
0x2e: {  	s3 =	simm.s32 @!p0 $0x1082;
	s9 =	sld [smem:$0x3FAF]  }
0x2f: {  	lr =	sadd.s32 s0, s3;
	s0 =	sld [smem:$0x3FA6]  }
0x30: {  	s3 =	sld [smem:$0x3FA9]  }
0x31: {  	[smem:$0x3FB2] =	sst s10  }
0x32: {  	s10 =	sld [smem:$0x3FB0];
	_ =	sdelay $0x3  }
0x33: {  	p0 =	seq.s32 s10, $0x1;
	s10 =	sld [smem:$0x3FB2];
	_ =	sdelay $0x3  }
0x34: {  	[smem:$0x3FB2] =	sst s10  }
0x35: {  	s10 =	sld [smem:$0x3FB1];
	_ =	sdelay $0x3  }
0x36: {  	p1 =	seq.s32 s10, $0x1;
	s10 =	sld [smem:$0x3FB2];
	_ =	sdelay $0x3  }
0x37: {  	[smem:$0x3FB2] =	sst s10  }
0x38: {  	s10 =	sld [smem:$0x3FB3]  }
0x39: {  	_ = 	snop;
	(pc) =	sbr.ind lr, $3  }
0x3a: {  	_ = 	snop  }
0x3b: {  	_ = 	snop  }
0x3c: {  	p2 =	seq.s32 s10, $0x1;
	s10 =	sld [smem:$0x3FB2]  }
0x3d: {  	_ =	shalt  }
0x3e: {  	_ =	shalt  }
0x3f: {  	_ =	shalt  }
0x40: {  	_ =	shalt  }
0x41: {  	_ =	shalt  }
0x42: {  	_ =	shalt  }
0x43: {  	_ =	shalt  }
0x44: {  	_ =	shalt  }
0x45: {  	_ =	shalt  }
0x46: {  	_ =	shalt  }
0x47: {  	_ =	shalt  }
0x48: {  	_ =	shalt  }
0x49: {  	_ =	shalt  }
0x4a: {  	_ =	shalt  }
0x4b: {  	_ =	shalt  }
0x4c: {  	_ =	shalt  }
0x4d: {  	_ =	shalt  }
0x4e: {  	_ =	shalt  }
0x4f: {  	_ =	shalt  }
0x50: {  	_ =	shalt  }
0x51: {  	_ =	shalt  }
0x52: {  	_ =	shalt  }
0x53: {  	_ =	shalt  }
0x54: {  	_ =	shalt  }
0x55: {  	_ =	shalt  }
0x56: {  	_ =	shalt  }
0x57: {  	_ =	shalt  }
0x58: {  	_ =	shalt  }
0x59: {  	_ =	shalt  }
0x5a: {  	_ =	shalt  }
0x5b: {  	_ =	shalt  }
0x5c: {  	_ =	shalt  }
0x5d: {  	_ =	shalt  }
0x5e: {  	_ =	shalt  }
0x5f: {  	_ =	shalt  }
0x60: {  	_ =	shalt  }
0x61: {  	_ =	shalt  }
0x62: {  	_ =	shalt  }
0x63: {  	_ =	shalt  }
0x64: {  	_ =	shalt  }
0x65: {  	_ =	shalt  }
0x66: {  	_ =	shalt  }
0x67: {  	_ =	shalt  }
0x68: {  	_ =	shalt  }
0x69: {  	_ =	shalt  }
0x6a: {  	_ =	shalt  }
0x6b: {  	_ =	shalt  }
0x6c: {  	_ =	shalt  }
0x6d: {  	_ =	shalt  }
0x6e: {  	_ =	shalt  }
0x6f: {  	_ =	shalt  }
0x70: {  	_ =	shalt  }
0x71: {  	_ =	shalt  }
0x72: {  	_ =	shalt  }
0x73: {  	_ =	shalt  }
0x74: {  	_ =	shalt  }
0x75: {  	_ =	shalt  }
0x76: {  	_ =	shalt  }
0x77: {  	_ =	shalt  }
0x78: {  	_ =	shalt  }
0x79: {  	_ =	shalt  }
0x7a: {  	_ =	shalt  }
0x7b: {  	_ =	shalt  }
0x7c: {  	_ =	shalt  }
0x7d: {  	_ =	shalt  }
0x7e: {  	_ =	shalt  }
0x7f: {  	_ =	shalt  }
0x80: {  	_ =	shalt  }
0x81: {  	_ =	shalt  }
0x82: {  	_ =	shalt  }
0x83: {  	_ =	shalt  }
0x84: {  	_ =	shalt  }
0x85: {  	_ =	shalt  }
0x86: {  	_ =	shalt  }
0x87: {  	_ =	shalt  }
.Lfunc_end0:
.L_simem_size_0:
called_computation.1_lowered:
.L_overlay_start_0:
0x88: {  	s2 =	sld [smem:$0x3FD9]  }
0x89: {  	s3 =	sld [smem:$0x3FFE];
	_ =	sdelay $0x1  }
0x8a: {  	s1 =	srdreg.scid  }
0x8b: {  	s0 =	sand.u32 $0x1, s1  }
0x8c: {  	s16 =	sshll.u32 s0, $0xA;
	s2 =	sadd.s32 s3, s2  }
0x8d: {  	s2 =	sadd.s32 s2, s16  }
0x8e: {  	[smem:$0x3FBE] =	sst s2  }
0x8f: {  	_ = 	snop  }
0x90: {  	(tm) =	ssettm $0x1  }
0x91: {  	s17 =	sld [smem:$0x3FFB];
	_ =	sdelay $0x3  }
0x92: {  	_ =	strace s17  }
0x93: {  	s2 =	sld [smem:$0x3FFC];
	_ =	sdelay $0x3  }
0x94: {  	_ =	strace s2  }
0x95: {  	s2 =	sld [smem:$0x3FFD];
	_ =	sdelay $0x3  }
0x96: {  	_ =	strace s2  }
0x97: {  	_ =	strace $0x8FFFFFFF  }
0x98: {  	s18 =	sld [smem:$0x3FDB];
	_ =	sdelay $0x1  }
0x99: {  	s19 =	simm.s32 $_scs_section_size  }
0x9a: {  	s4 =	simm.s32 $_size__tile_overlayer_lowered;
	s5 =	simm.s32 $_tile_overlayer_lowered  }
0x9b: {  	s22 =	simm.s32 $0x1BFF;
	s21 =	sshll.u32 s5, $0x1;
	s2 =	sadd.s32 s19, s18  }
0x9c: {  	s6 =	simm.s32 $0x0;
	s20 =	sshll.u32 s4, $0x1;
	s4 =	sadd.s32 s21, s2  }
0x9d: {  	[timem:s6], [sflag:s22] =	dma.local [hbm:s4], s20  }
0x9e: {  	_ =	swait.ge [sflag:s22], s20  }
0x9f: {  	s3 =	ssub.s32 $0x0, s20;
	[sflag:s22] =	ssyncset.done $0x0  }
0xa0: {  	[sflag:s22] =	ssyncadd.s32 s3;
	_ =	sdelay $0x1  }
0xa1: {  	s23 =	simm.s32 $0x1B8B  }
0xa2: {  	_ =	swait.ge [sflag:s23], $0x1  }
0xa3: {  	[sflag:s23] =	ssyncset.done $0x0  }
0xa4: {  	s25 =	simm.s32 $0x1B8E;
	s24 =	sld [smem:$0x3FFE];
	[sflag:s23] =	ssyncadd.s32 $0xFFFFFFFF  }
0xa5: {  	s26 =	simm.s32 $execute0_lowered;
	[smem:$0x3FD2] =	sst s25  }
0xa6: {  	s4 =	sshll.u32 s26, $0x1;
	_ =	strace $0x80000049;
	[dreg:$0x1] =	wrdreg $0xFFFFFFFF  }
0xa7: {  	s28 =	simm.s32 $_size_execute0_lowered;
	s2 =	sadd.s32 s2, s4;
	[dreg:$0x0] =	wrdreg $0x0  }
0xa8: {  	s4 =	sshll.u32 s28, $0x1;
	[dreg:$0x2] =	wrdreg s2  }
0xa9: {  	[dreg:$0x3] =	wrdreg s4  }
0xaa: {  	[dreg:$0x4] =	wrdreg $0xC0  }
0xab: {  	_ =	task [dreg:s6], $0x5FFFF  }
0xac: {  	[dreg:$0x1] =	wrdreg $0xFFFFFFFF  }
0xad: {  	[dreg:$0x0] =	wrdreg $0x60  }
0xae: {  	[dreg:$0x2] =	wrdreg s24  }
0xaf: {  	[dreg:$0x3] =	wrdreg $0x9  }
0xb0: {  	_ =	task.clear_ibuf [dreg:s6], $0x4FFFF;
	_ =	strace $0x90000049  }
0xb1: {  	s29 =	simm.s32 $0x9;
	_ =	strace $0x8000004B  }
0xb2: {  	_ =	swait.ge [sflag:s29], $0x1  }
0xb3: {  	[sflag:s29] =	ssyncadd.s32 $0xFFFFFFFF  }
0xb4: {  	_ =	strace $0x9000004B  }
0xb5: {  	_ =	sfence  }
0xb6: {  	s30 =	sld [smem:$0x0];
	_ =	sdelay $0x2  }
0xb7: {  	s31 =	sshll.u32 s1, $0xD;
	s1 =	sshrl.u32 s1, $0x2  }
0xb8: {  	s3 =	sand.u32 $0x4000, s31;
	s1 =	sadd.s32 s1, s30  }
0xb9: {  	s0 =	sor.u32 s3, s0;
	s1 =	sshll.u32 s1, $0x11  }
0xba: {  	s0 =	sor.u32 s1, s0  }
0xbb: {  	s0 =	sadd.s32 $0x8F2B, s0  }
0xbc: {  	[sflag:s0] =	ssyncadd.remote.s32 $0x1  }
0xbd: {  	_ =	sfence.sel $0xFFFF  }
0xbe: {  	[dreg:$0x0] =	wrdreg $0xFFFFFFFF;
	(pc) =	sbr.abs _section_cstart, $3  }
0xbf: {  	[dreg:$0x1] =	wrdreg $0xFFFFFFFF  }
0xc0: {  	_ =	task.clear_ibuf [dreg:s6], $0x2FFFF;
	_ =	strace $0x9FFFFFFF  }
0xc1: {  	(tm) =	ssettm $0x7FFFFFFF  }
tec
execute0_lowered:
.L_overlay_start_1:
0x0: {  	(tag) =	ssettag $0x1  }
0x1: {  	s0 =	rddreg [dreg:$0x0]  }
0x2: {  	s1 =	simm.s32 $0x0;
	s2 =	srdreg.scid;
	s6 =	stileid.u32  }
0x3: {  	s12 =	simm.s32 $0x7;
	s13 =	simm.s32 $0x1000;
	s14 =	simm.s32 $0x50  }
0x4: {  	s15 =	simm.s32 $0x2000;
	s16 =	simm.s32 $0x7000;
	s18 =	simm.s32 $0x4800  }
0x5: {  	s20 =	simm.s32 $0x9800;
	s21 =	simm.s32 $0x1;
	s22 =	simm.s32 $0x3  }
0x6: {  	s23 =	simm.s32 $0xC000;
	s24 =	simm.s32 $0x2;
	s25 =	simm.s32 $0x4  }
0x7: {  	s26 =	simm.s32 $0xC500;
	s28 =	simm.s32 $0x5;
	s11 =	simm.s32 $0x0  }
0x8: {  	[smem:$0x7FF] =	sst s1;
	s2 =	sand.u32 $0x1, s2;
	s3 =	sadd.s32 $0x1400, s0  }
0x9: {  	s4 =	sadd.s32 $0x28600, s0;
	s5 =	sshll.u32 s2, $0x4;
	s2 =	ssub.s32 $0x2, s2  }
0xa: {  	s7 =	sadd.s32 $0x12C600, s0;
	s9 =	sor.u32 s6, s5;
	s10 =	sshrl.u32 s2, $0x1  }
0xb: {  	s8 =	sadd.s32 $0x4F800, s0;
	s6 =	smul.u32 $0x2710, s9;
	s31 =	ssub.s32 s2, s10  }
0xc: {  	_ =	strace $0x8000004A;
	s5 =	sadd.s32 $0x118600, s0;
	s0 =	smax.u32 s31, $0x1  }
0xd: {  	s9 =	smul.u32 $0x5000, s9;
	s10 =	sadd.s32 $0x780, s6;
	[dreg:$0x2] =	wrdreg s0  }
.LBB2_1:
0xe: {  	[dreg:$0x3] =	wrdreg s11;
	s31 =	simm.s32 $0x0  }
.LBB2_2:
0xf: {  	s0 =	sshll.u32 s31, $0xC  }
0x10: {  	s0 =	sadd.s32 s9, s0  }
0x11: {  	s2 =	sshrl.u32 s0, $0x3  }
0x12: {  	s0 =	simm.s32 $0x0;
	s11 =	sadd.s32 s5, s2  }
0x13: {  	[tilespmem:s0], [sflag:$0x7] =	stream.linear.gather [hbm4b:s11+s0], $0xC80, $0x38;
	[tilespmem:$0xCA00] =	vst v63  }
0x14: {  	_ =	swait.ge [sflag:s12], $0xC80  }
0x15: {  	[sflag:s12] =	ssyncset.done $0x0  }
0x16: {  	s2 =	sadd.s32 s7, s2;
	[sflag:s12] =	ssyncadd.s32 $0xFFFFF380  }
0x17: {  	[tilespmem:s13], [sflag:$0x7] =	stream.linear.gather [hbm4b:s2+s0], $0xC80, $0x38;
	[tilespmem:$0xCA00] =	vst v63  }
0x18: {  	_ =	swait.ge [sflag:s12], $0xC80  }
0x19: {  	[sflag:s12] =	ssyncset.done $0x0  }
0x1a: {  	[sflag:s12] =	ssyncadd.s32 $0xFFFFF380  }
0x1b: {  	[tilespmem:s15], [sflag:$0x1] =	stream.indirect.gather [hbm4b:s3+s14], $0x80, s0, s14, $0xb8;
	[tilespmem:$0xCA00] =	vst v63  }
0x1c: {  	_ = 	snop  }
0x1d: {  	[tilespmem:s16], [sflag:$0x3] =	stream.indirect.gather [hbm4b:s4+s14], $0x80, s13, s14, $0xb8;
	[tilespmem:$0xCA00] =	vst v63  }
0x1e: {  	s29 =	simm.s32 $0x80  }
0x1f: {  	[tilespmem:s18], [sflag:$0x2] =	stream.indirect.gather [hbm4b:s3+s14], $0x80, s29, s14, $0xb8;
	[tilespmem:$0xCA00] =	vst v63  }
0x20: {  	s30 =	simm.s32 $0x1080;
	s2 =	smul.u32 $0x19, s31  }
0x21: {  	[tilespmem:s20], [sflag:$0x4] =	stream.indirect.gather [hbm4b:s4+s14], $0x80, s30, s14, $0xb8;
	[tilespmem:$0xCA00] =	vst v63  }
.LBB2_3:
0x22: {  	_ =	swait.ge [sflag:s21], $0x2800  }
0x23: {  	[sflag:s21] =	ssyncset.done $0x0  }
0x24: {  	s29 =	sshll.u32 s0, $0x1;
	[sflag:s21] =	ssyncadd.s32 $0xFFFFD800  }
0x25: {  	s19 =	sadd.s32 s2, s29;
	_ =	swait.ge [sflag:s22], $0x2800  }
0x26: {  	p0 =	slt.u32 s19, $0x2;
	[sflag:s22] =	ssyncset.done $0x0  }
0x27: {  	s11 =	simm.s32 @!p0 $0x5;
	[sflag:s22] =	ssyncadd.s32 $0xFFFFD800  }
0x28: {  	_ =	swait.ge @!p0 [sflag:s11], $0x500  }
0x29: {  	[sflag:s11] =	ssyncset.done @!p0 $0x0  }
0x2a: {  	s17 =	simm.s32 $0x0;
	[sflag:s11] =	ssyncadd.s32 @!p0 $0xFFFFFB00  }
0x2b: {  	v0 =	vld [tilespmem:s17+$0x7000]  }
0x2c: {  	v1 =	vld [tilespmem:s17+$0x2000]  }
0x2d: {  	v2 =	vld [tilespmem:s17+$0x2010]  }
0x2e: {  	v3 =	vld [tilespmem:s17+$0x7010]  }
0x2f: {  	v4 =	vld [tilespmem:s17+$0x2020]  }
0x30: {  	v5 =	vld [tilespmem:s17+$0x7020]  }
0x31: {  	v6 =	vld [tilespmem:s17+$0x2030]  }
0x32: {  	v7 =	vld [tilespmem:s17+$0x7030]  }
0x33: {  	v0 =	vmul.f32 v0, v1;
	v1 =	vmul.f32 v3, v2;
	v2 =	vld [tilespmem:s17+$0x2040]  }
0x34: {  	v3 =	vld [tilespmem:s17+$0x7040]  }
0x35: {  	v60 =	vld [tilespmem:s17+$0x2050];
	v0 =	vadd.f32 v1, v0;
	v1 =	vmul.f32 v5, v4  }
0x36: {  	v61 =	vld [tilespmem:s17+$0x7050]  }
0x37: {  	v62 =	vld [tilespmem:s17+$0x2060];
	v0 =	vadd.f32 v1, v0;
	v1 =	vmul.f32 v7, v6  }
0x38: {  	v63 =	vld [tilespmem:s17+$0x7060]  }
0x39: {  	v0 =	vadd.f32 v1, v0;
	v1 =	vmul.f32 v3, v2;
	v2 =	vld [tilespmem:s17+$0x2070]  }
0x3a: {  	v3 =	vld [tilespmem:s17+$0x7070]  }
0x3b: {  	v0 =	vadd.f32 v1, v0;
	v1 =	vmul.f32 v61, v60;
	_ =	sdelay $0x1  }
0x3c: {  	v0 =	vadd.f32 v1, v0;
	v1 =	vmul.f32 v63, v62;
	_ =	sdelay $0x1  }
0x3d: {  	v0 =	vadd.f32 v1, v0;
	v1 =	vmul.f32 v3, v2;
	_ =	sdelay $0x1  }
0x3e: {  	v0 =	vadd.f32 v1, v0  }
0x3f: {  	s11 =	simm.s32 $0xC000  }
0x40: {  	s17 =	simm.s32 $0x80;
	[tilespmem:s11+$0x0] =	vst v0  }
0x41: {  	s19 =	smul.u32 $0x50, s19;
	v0 =	vld [tilespmem:s17+$0x7000]  }
0x42: {  	v1 =	vld [tilespmem:s17+$0x2000]  }
0x43: {  	s30 =	sadd.s32 s6, s19;
	s19 =	simm.s32 $0x400;
	v2 =	vld [tilespmem:s17+$0x2010]  }
.LBB2_4:
0x44: {  	p0 =	sne.s32 s19, $0x9E00;
	v3 =	vld [tilespmem:s17+$0x7010]  }
0x45: {  	v4 =	vld [tilespmem:s17+$0x2020]  }
0x46: {  	v5 =	vld [tilespmem:s17+$0x7020]  }
0x47: {  	v6 =	vld [tilespmem:s17+$0x2030]  }
0x48: {  	v7 =	vld [tilespmem:s17+$0x7030]  }
0x49: {  	v0 =	vmul.f32 v0, v1;
	v1 =	vmul.f32 v3, v2;
	v2 =	vld [tilespmem:s17+$0x2040]  }
0x4a: {  	v3 =	vld [tilespmem:s17+$0x7040]  }
0x4b: {  	v0 =	vadd.f32 v1, v0;
	v1 =	vmul.f32 v5, v4;
	v4 =	vld [tilespmem:s17+$0x2050]  }
0x4c: {  	v5 =	vld [tilespmem:s17+$0x7050]  }
0x4d: {  	v0 =	vadd.f32 v1, v0;
	v1 =	vmul.f32 v7, v6;
	v6 =	vld [tilespmem:s17+$0x2060]  }
0x4e: {  	v7 =	vld [tilespmem:s17+$0x7060]  }
0x4f: {  	v0 =	vadd.f32 v1, v0;
	v1 =	vmul.f32 v3, v2;
	v2 =	vld [tilespmem:s17+$0x2070]  }
0x50: {  	v3 =	vld [tilespmem:s17+$0x7070]  }
0x51: {  	v0 =	vadd.f32 v1, v0;
	v1 =	vmul.f32 v5, v4;
	_ =	sdelay $0x1  }
0x52: {  	v0 =	vadd.f32 v1, v0;
	v1 =	vmul.f32 v7, v6;
	_ =	sdelay $0x1  }
0x53: {  	v0 =	vadd.f32 v1, v0;
	v1 =	vmul.f32 v3, v2;
	_ =	sdelay $0x1  }
0x54: {  	v0 =	vadd.f32 v1, v0  }
.Ltmp0:
0x55: {  	s11 =	sadd.s32 $0x10, s11;
	(pc) =	sbr.rel @p0 .LBB2_4-.Ltmp0, $4  }
0x56: {  	s17 =	sshra.s32 s19, $0x2;
	[tilespmem:s11+$0x0] =	vst v0  }
0x57: {  	v0 =	vld [tilespmem:s17+$0x7000]  }
0x58: {  	v1 =	vld [tilespmem:s17+$0x2000]  }
0x59: {  	s19 =	sadd.s32 $0x200, s19;
	v2 =	vld [tilespmem:s17+$0x2010]  }
0x5a: {  	v3 =	vld [tilespmem:s17+$0x7010]  }
0x5b: {  	v4 =	vld [tilespmem:s17+$0x2020]  }
0x5c: {  	v5 =	vld [tilespmem:s17+$0x7020]  }
0x5d: {  	v6 =	vld [tilespmem:s17+$0x2030]  }
0x5e: {  	v7 =	vld [tilespmem:s17+$0x7030]  }
0x5f: {  	v0 =	vmul.f32 v0, v1;
	v1 =	vmul.f32 v3, v2;
	v2 =	vld [tilespmem:s17+$0x2040]  }
0x60: {  	v3 =	vld [tilespmem:s17+$0x7040]  }
0x61: {  	v52 =	vld [tilespmem:s17+$0x2050];
	v0 =	vadd.f32 v1, v0;
	v1 =	vmul.f32 v5, v4  }
0x62: {  	v53 =	vld [tilespmem:s17+$0x7050]  }
0x63: {  	v54 =	vld [tilespmem:s17+$0x2060];
	v0 =	vadd.f32 v1, v0;
	v1 =	vmul.f32 v7, v6  }
0x64: {  	v55 =	vld [tilespmem:s17+$0x7060]  }
0x65: {  	v0 =	vadd.f32 v1, v0;
	v1 =	vmul.f32 v3, v2;
	v2 =	vld [tilespmem:s17+$0x2070]  }
0x66: {  	v3 =	vld [tilespmem:s17+$0x7070]  }
0x67: {  	v0 =	vadd.f32 v1, v0;
	v1 =	vmul.f32 v53, v52;
	_ =	sdelay $0x1  }
0x68: {  	v0 =	vadd.f32 v1, v0;
	v1 =	vmul.f32 v55, v54;
	_ =	sdelay $0x1  }
0x69: {  	v0 =	vadd.f32 v1, v0;
	v1 =	vmul.f32 v3, v2;
	_ =	sdelay $0x1  }
0x6a: {  	v0 =	vadd.f32 v1, v0  }
0x6b: {  	s11 =	sadd.s32 $0x10, s11;
	s19 =	sshll.u32 s30, $0x1  }
0x6c: {  	s17 =	sadd.s32 s8, s19;
	[tilespmem:s11+$0x0] =	vst v0;
	s11 =	sshll.u32 s0, $0x8  }
0x6d: {  	[hbm4b:s17+s1] =	stream.linear.scatter [tilespmem:s23], [sflag:$0x5], $0x500, $0x38;
	[tilespmem:$0xCA00] =	vst v63  }
0x6e: {  	s19 =	sadd.s32 $0x100, s11  }
0x6f: {  	[tilespmem:s15], [sflag:$0x1] =	stream.indirect.gather [hbm4b:s3+s14], $0x80, s19, s14, $0xb8;
	[tilespmem:$0xCA00] =	vst v63  }
0x70: {  	s19 =	sadd.s32 $0x1100, s11  }
0x71: {  	[tilespmem:s16], [sflag:$0x3] =	stream.indirect.gather [hbm4b:s4+s14], $0x80, s19, s14, $0xb8;
	[tilespmem:$0xCA00] =	vst v63  }
0x72: {  	_ =	swait.ge [sflag:s24], $0x2800  }
0x73: {  	[sflag:s24] =	ssyncset.done $0x0  }
0x74: {  	s19 =	sadd.s32 s29, s2;
	[sflag:s24] =	ssyncadd.s32 $0xFFFFD800  }
0x75: {  	s19 =	sadd.s32 $0x1, s19;
	_ =	swait.ge [sflag:s25], $0x2800  }
0x76: {  	p0 =	slt.u32 s19, $0x2;
	[sflag:s25] =	ssyncset.done $0x0  }
0x77: {  	s17 =	simm.s32 @!p0 $0x6;
	[sflag:s25] =	ssyncadd.s32 $0xFFFFD800  }
0x78: {  	_ =	swait.ge @!p0 [sflag:s17], $0x500  }
0x79: {  	[sflag:s17] =	ssyncset.done @!p0 $0x0  }
0x7a: {  	[sflag:s17] =	ssyncadd.s32 @!p0 $0xFFFFFB00;
	s17 =	simm.s32 $0x0  }
0x7b: {  	v0 =	vld [tilespmem:s17+$0x9800]  }
0x7c: {  	v1 =	vld [tilespmem:s17+$0x4800]  }
0x7d: {  	v2 =	vld [tilespmem:s17+$0x4810]  }
0x7e: {  	v3 =	vld [tilespmem:s17+$0x9810]  }
0x7f: {  	v56 =	vld [tilespmem:s17+$0x4820]  }
0x80: {  	v57 =	vld [tilespmem:s17+$0x9820]  }
0x81: {  	v58 =	vld [tilespmem:s17+$0x4830]  }
0x82: {  	v59 =	vld [tilespmem:s17+$0x9830]  }
0x83: {  	v0 =	vmul.f32 v0, v1;
	v1 =	vmul.f32 v3, v2;
	v2 =	vld [tilespmem:s17+$0x4840]  }
0x84: {  	v3 =	vld [tilespmem:s17+$0x9840]  }
0x85: {  	v60 =	vld [tilespmem:s17+$0x4850];
	v0 =	vadd.f32 v1, v0;
	v1 =	vmul.f32 v57, v56  }
0x86: {  	v61 =	vld [tilespmem:s17+$0x9850]  }
0x87: {  	v62 =	vld [tilespmem:s17+$0x4860];
	v0 =	vadd.f32 v1, v0;
	v1 =	vmul.f32 v59, v58  }
0x88: {  	v63 =	vld [tilespmem:s17+$0x9860]  }
0x89: {  	v0 =	vadd.f32 v1, v0;
	v1 =	vmul.f32 v3, v2;
	v2 =	vld [tilespmem:s17+$0x4870]  }
0x8a: {  	v3 =	vld [tilespmem:s17+$0x9870]  }
0x8b: {  	v0 =	vadd.f32 v1, v0;
	v1 =	vmul.f32 v61, v60;
	_ =	sdelay $0x1  }
0x8c: {  	v0 =	vadd.f32 v1, v0;
	v1 =	vmul.f32 v63, v62;
	_ =	sdelay $0x1  }
0x8d: {  	v0 =	vadd.f32 v1, v0;
	v1 =	vmul.f32 v3, v2;
	_ =	sdelay $0x1  }
0x8e: {  	v0 =	vadd.f32 v1, v0  }
0x8f: {  	s29 =	simm.s32 $0xC500  }
0x90: {  	s17 =	simm.s32 $0x80;
	[tilespmem:s29+$0x0] =	vst v0  }
0x91: {  	s19 =	smul.u32 $0x50, s19;
	v0 =	vld [tilespmem:s17+$0x9800]  }
0x92: {  	v1 =	vld [tilespmem:s17+$0x4800]  }
0x93: {  	s30 =	sadd.s32 s6, s19;
	s19 =	simm.s32 $0x400;
	v2 =	vld [tilespmem:s17+$0x4810]  }
.LBB2_6:
0x94: {  	p0 =	sne.s32 s19, $0x9E00;
	v3 =	vld [tilespmem:s17+$0x9810]  }
0x95: {  	v4 =	vld [tilespmem:s17+$0x4820]  }
0x96: {  	v5 =	vld [tilespmem:s17+$0x9820]  }
0x97: {  	v6 =	vld [tilespmem:s17+$0x4830]  }
0x98: {  	v7 =	vld [tilespmem:s17+$0x9830]  }
0x99: {  	v0 =	vmul.f32 v0, v1;
	v1 =	vmul.f32 v3, v2;
	v2 =	vld [tilespmem:s17+$0x4840]  }
0x9a: {  	v3 =	vld [tilespmem:s17+$0x9840]  }
0x9b: {  	v0 =	vadd.f32 v1, v0;
	v1 =	vmul.f32 v5, v4;
	v4 =	vld [tilespmem:s17+$0x4850]  }
0x9c: {  	v5 =	vld [tilespmem:s17+$0x9850]  }
0x9d: {  	v0 =	vadd.f32 v1, v0;
	v1 =	vmul.f32 v7, v6;
	v6 =	vld [tilespmem:s17+$0x4860]  }
0x9e: {  	v7 =	vld [tilespmem:s17+$0x9860]  }
0x9f: {  	v0 =	vadd.f32 v1, v0;
	v1 =	vmul.f32 v3, v2;
	v2 =	vld [tilespmem:s17+$0x4870]  }
0xa0: {  	v3 =	vld [tilespmem:s17+$0x9870]  }
0xa1: {  	v0 =	vadd.f32 v1, v0;
	v1 =	vmul.f32 v5, v4;
	_ =	sdelay $0x1  }
0xa2: {  	v0 =	vadd.f32 v1, v0;
	v1 =	vmul.f32 v7, v6;
	_ =	sdelay $0x1  }
0xa3: {  	v0 =	vadd.f32 v1, v0;
	v1 =	vmul.f32 v3, v2;
	_ =	sdelay $0x1  }
0xa4: {  	v0 =	vadd.f32 v1, v0  }
.Ltmp1:
0xa5: {  	s29 =	sadd.s32 $0x10, s29;
	(pc) =	sbr.rel @p0 .LBB2_6-.Ltmp1, $4  }
0xa6: {  	s17 =	sshra.s32 s19, $0x2;
	[tilespmem:s29+$0x0] =	vst v0  }
0xa7: {  	v0 =	vld [tilespmem:s17+$0x9800]  }
0xa8: {  	v1 =	vld [tilespmem:s17+$0x4800]  }
0xa9: {  	s19 =	sadd.s32 $0x200, s19;
	v2 =	vld [tilespmem:s17+$0x4810]  }
0xaa: {  	v3 =	vld [tilespmem:s17+$0x9810]  }
0xab: {  	v4 =	vld [tilespmem:s17+$0x4820]  }
0xac: {  	v5 =	vld [tilespmem:s17+$0x9820]  }
0xad: {  	v6 =	vld [tilespmem:s17+$0x4830]  }
0xae: {  	v7 =	vld [tilespmem:s17+$0x9830]  }
0xaf: {  	v50 =	vld [tilespmem:s17+$0x4840];
	v0 =	vmul.f32 v0, v1;
	v49 =	vmul.f32 v3, v2  }
0xb0: {  	v51 =	vld [tilespmem:s17+$0x9840]  }
0xb1: {  	v53 =	vld [tilespmem:s17+$0x4850];
	v52 =	vmul.f32 v5, v4;
	v0 =	vadd.f32 v49, v0  }
0xb2: {  	v54 =	vld [tilespmem:s17+$0x9850]  }
0xb3: {  	v56 =	vld [tilespmem:s17+$0x4860];
	v55 =	vmul.f32 v7, v6;
	v0 =	vadd.f32 v52, v0  }
0xb4: {  	v57 =	vld [tilespmem:s17+$0x9860]  }
0xb5: {  	v59 =	vld [tilespmem:s17+$0x4870];
	v58 =	vmul.f32 v51, v50;
	v0 =	vadd.f32 v55, v0  }
0xb6: {  	v60 =	vld [tilespmem:s17+$0x9870]  }
0xb7: {  	v61 =	vmul.f32 v54, v53;
	v0 =	vadd.f32 v58, v0;
	_ =	sdelay $0x1  }
0xb8: {  	v62 =	vmul.f32 v57, v56;
	v0 =	vadd.f32 v61, v0;
	_ =	sdelay $0x1  }
0xb9: {  	p0 =	seq.s32 s0, $0xB;
	v63 =	vmul.f32 v60, v59;
	v0 =	vadd.f32 v62, v0  }
.Ltmp2:
0xba: {  	_ = 	snop;
	(pc) =	sbr.rel @p0 .LBB2_9-.Ltmp2, $4  }
0xbb: {  	s30 =	sshll.u32 s30, $0x1;
	v0 =	vadd.f32 v63, v0  }
0xbc: {  	s19 =	sadd.s32 $0x10, s29;
	s17 =	sand.u32 $0x1FFFFFE0, s30  }
0xbd: {  	s17 =	sadd.s32 s8, s17;
	[tilespmem:s19+$0x0] =	vst v0  }
0xbe: {  	[hbm4b:s17+s1] =	stream.linear.scatter [tilespmem:s26], [sflag:$0x6], $0x500, $0x38;
	[tilespmem:$0xCA00] =	vst v63  }
.Ltmp3:
0xbf: {  	(pc) =	sbr.rel .LBB2_3-.Ltmp3, $4  }
0xc0: {  	s17 =	sadd.s32 $0x180, s11  }
0xc1: {  	[tilespmem:s18], [sflag:$0x2] =	stream.indirect.gather [hbm4b:s3+s14], $0x80, s17, s14, $0xb8;
	[tilespmem:$0xCA00] =	vst v63  }
0xc2: {  	s30 =	sadd.s32 $0x1180, s11;
	s0 =	sadd.s32 $0x1, s0  }
0xc3: {  	[tilespmem:s20], [sflag:$0x4] =	stream.indirect.gather [hbm4b:s4+s14], $0x80, s30, s14, $0xb8;
	[tilespmem:$0xCA00] =	vst v63  }
.LBB2_9:
0xc4: {  	_ =	swait.ge [sflag:s21], $0x2800  }
0xc5: {  	[sflag:s21] =	ssyncset.done $0x0  }
0xc6: {  	[sflag:s21] =	ssyncadd.s32 $0xFFFFD800  }
0xc7: {  	_ =	swait.ge [sflag:s22], $0x2800  }
0xc8: {  	[sflag:s22] =	ssyncset.done $0x0  }
0xc9: {  	[sflag:s22] =	ssyncadd.s32 $0xFFFFD800  }
0xca: {  	_ =	swait.ge [sflag:s28], $0x500  }
0xcb: {  	[sflag:s28] =	ssyncset.done $0x0  }
0xcc: {  	s0 =	simm.s32 $0x0;
	[sflag:s28] =	ssyncadd.s32 $0xFFFFFB00  }
0xcd: {  	v0 =	vld [tilespmem:s0+$0x7000]  }
0xce: {  	v1 =	vld [tilespmem:s0+$0x2000]  }
0xcf: {  	v2 =	vld [tilespmem:s0+$0x2010]  }
0xd0: {  	v3 =	vld [tilespmem:s0+$0x7010]  }
0xd1: {  	v4 =	vld [tilespmem:s0+$0x2020]  }
0xd2: {  	v5 =	vld [tilespmem:s0+$0x7020]  }
0xd3: {  	v6 =	vld [tilespmem:s0+$0x2030]  }
0xd4: {  	v7 =	vld [tilespmem:s0+$0x7030]  }
0xd5: {  	v0 =	vmul.f32 v0, v1;
	v1 =	vmul.f32 v3, v2;
	v2 =	vld [tilespmem:s0+$0x2040]  }
0xd6: {  	v3 =	vld [tilespmem:s0+$0x7040]  }
0xd7: {  	v60 =	vld [tilespmem:s0+$0x2050];
	v0 =	vadd.f32 v1, v0;
	v1 =	vmul.f32 v5, v4  }
0xd8: {  	v61 =	vld [tilespmem:s0+$0x7050]  }
0xd9: {  	v62 =	vld [tilespmem:s0+$0x2060];
	v0 =	vadd.f32 v1, v0;
	v1 =	vmul.f32 v7, v6  }
0xda: {  	v63 =	vld [tilespmem:s0+$0x7060]  }
0xdb: {  	v0 =	vadd.f32 v1, v0;
	v1 =	vmul.f32 v3, v2;
	v2 =	vld [tilespmem:s0+$0x2070]  }
0xdc: {  	v3 =	vld [tilespmem:s0+$0x7070]  }
0xdd: {  	v0 =	vadd.f32 v1, v0;
	v1 =	vmul.f32 v61, v60;
	_ =	sdelay $0x1  }
0xde: {  	v0 =	vadd.f32 v1, v0;
	v1 =	vmul.f32 v63, v62;
	_ =	sdelay $0x1  }
0xdf: {  	v0 =	vadd.f32 v1, v0;
	v1 =	vmul.f32 v3, v2;
	_ =	sdelay $0x1  }
0xe0: {  	v0 =	vadd.f32 v1, v0  }
0xe1: {  	s0 =	simm.s32 $0xC000  }
0xe2: {  	s2 =	simm.s32 $0x80;
	[tilespmem:s0+$0x0] =	vst v0  }
0xe3: {  	v0 =	vld [tilespmem:s2+$0x7000]  }
0xe4: {  	v1 =	vld [tilespmem:s2+$0x2000]  }
0xe5: {  	s11 =	simm.s32 $0x400;
	v2 =	vld [tilespmem:s2+$0x2010]  }
.LBB2_10:
0xe6: {  	p0 =	sne.s32 s11, $0x9E00;
	v3 =	vld [tilespmem:s2+$0x7010]  }
0xe7: {  	v4 =	vld [tilespmem:s2+$0x2020]  }
0xe8: {  	v5 =	vld [tilespmem:s2+$0x7020]  }
0xe9: {  	v6 =	vld [tilespmem:s2+$0x2030]  }
0xea: {  	v7 =	vld [tilespmem:s2+$0x7030]  }
0xeb: {  	v0 =	vmul.f32 v0, v1;
	v1 =	vmul.f32 v3, v2;
	v2 =	vld [tilespmem:s2+$0x2040]  }
0xec: {  	v3 =	vld [tilespmem:s2+$0x7040]  }
0xed: {  	v0 =	vadd.f32 v1, v0;
	v1 =	vmul.f32 v5, v4;
	v4 =	vld [tilespmem:s2+$0x2050]  }
0xee: {  	v5 =	vld [tilespmem:s2+$0x7050]  }
0xef: {  	v0 =	vadd.f32 v1, v0;
	v1 =	vmul.f32 v7, v6;
	v6 =	vld [tilespmem:s2+$0x2060]  }
0xf0: {  	v7 =	vld [tilespmem:s2+$0x7060]  }
0xf1: {  	v0 =	vadd.f32 v1, v0;
	v1 =	vmul.f32 v3, v2;
	v2 =	vld [tilespmem:s2+$0x2070]  }
0xf2: {  	v3 =	vld [tilespmem:s2+$0x7070]  }
0xf3: {  	v0 =	vadd.f32 v1, v0;
	v1 =	vmul.f32 v5, v4;
	_ =	sdelay $0x1  }
0xf4: {  	v0 =	vadd.f32 v1, v0;
	v1 =	vmul.f32 v7, v6;
	_ =	sdelay $0x1  }
0xf5: {  	v0 =	vadd.f32 v1, v0;
	v1 =	vmul.f32 v3, v2;
	_ =	sdelay $0x1  }
0xf6: {  	v0 =	vadd.f32 v1, v0  }
.Ltmp4:
0xf7: {  	s0 =	sadd.s32 $0x10, s0;
	(pc) =	sbr.rel @p0 .LBB2_10-.Ltmp4, $4  }
0xf8: {  	s2 =	sshra.s32 s11, $0x2;
	[tilespmem:s0+$0x0] =	vst v0  }
0xf9: {  	v0 =	vld [tilespmem:s2+$0x7000]  }
0xfa: {  	v1 =	vld [tilespmem:s2+$0x2000]  }
0xfb: {  	s11 =	sadd.s32 $0x200, s11;
	v2 =	vld [tilespmem:s2+$0x2010]  }
0xfc: {  	v3 =	vld [tilespmem:s2+$0x7010]  }
0xfd: {  	v4 =	vld [tilespmem:s2+$0x2020]  }
0xfe: {  	v5 =	vld [tilespmem:s2+$0x7020]  }
0xff: {  	v6 =	vld [tilespmem:s2+$0x2030]  }
0x100: {  	v7 =	vld [tilespmem:s2+$0x7030]  }
0x101: {  	v50 =	vld [tilespmem:s2+$0x2040];
	v0 =	vmul.f32 v0, v1;
	v49 =	vmul.f32 v3, v2  }
0x102: {  	v51 =	vld [tilespmem:s2+$0x7040]  }
0x103: {  	v53 =	vld [tilespmem:s2+$0x2050];
	v52 =	vmul.f32 v5, v4;
	v0 =	vadd.f32 v49, v0  }
0x104: {  	v54 =	vld [tilespmem:s2+$0x7050]  }
0x105: {  	v56 =	vld [tilespmem:s2+$0x2060];
	v55 =	vmul.f32 v7, v6;
	v0 =	vadd.f32 v52, v0  }
0x106: {  	v57 =	vld [tilespmem:s2+$0x7060]  }
0x107: {  	v59 =	vld [tilespmem:s2+$0x2070];
	v58 =	vmul.f32 v51, v50;
	v0 =	vadd.f32 v55, v0  }
0x108: {  	v60 =	vld [tilespmem:s2+$0x7070]  }
0x109: {  	v61 =	vmul.f32 v54, v53;
	v0 =	vadd.f32 v58, v0;
	_ =	sdelay $0x1  }
0x10a: {  	v62 =	vmul.f32 v57, v56;
	v0 =	vadd.f32 v61, v0  }
0x10b: {  	s29 =	smul.u32 $0x7D0, s31;
	s31 =	sadd.s32 $0x1, s31  }
0x10c: {  	p0 =	sne.s32 s31, $0x5;
	v63 =	vmul.f32 v60, v59;
	v0 =	vadd.f32 v62, v0  }
.Ltmp5:
0x10d: {  	s2 =	sadd.s32 s29, s10;
	(pc) =	sbr.rel @p0 .LBB2_2-.Ltmp5, $4  }
0x10e: {  	s2 =	sshll.u32 s2, $0x1;
	v0 =	vadd.f32 v63, v0  }
0x10f: {  	s0 =	sadd.s32 $0x10, s0;
	s2 =	sand.u32 $0x1FFFFFE0, s2  }
0x110: {  	s30 =	sadd.s32 s8, s2;
	[tilespmem:s0+$0x0] =	vst v0  }
0x111: {  	[hbm4b:s30+s1] =	stream.linear.scatter [tilespmem:s23], [sflag:$0x5], $0x500, $0x38;
	[tilespmem:$0xCA00] =	vst v63  }
0x112: {  	_ =	swait.ge [sflag:s28], $0x500  }
0x113: {  	[sflag:s28] =	ssyncset.done $0x0  }
0x114: {  	s2 =	simm.s32 $0x6;
	[sflag:s28] =	ssyncadd.s32 $0xFFFFFB00  }
0x115: {  	_ =	swait.ge [sflag:s2], $0x500  }
0x116: {  	s11 =	rddreg [dreg:$0x3]  }
0x117: {  	s0 =	rddreg [dreg:$0x2];
	s11 =	sadd.s32 $0x1, s11  }
0x118: {  	p0 =	sne.s32 s11, s0  }
.Ltmp6:
0x119: {  	_ = 	snop;
	(pc) =	sbr.rel @p0 .LBB2_1-.Ltmp6, $3  }
0x11a: {  	_ =	sdelay $0x1  }
0x11b: {  	[sflag:s2] =	ssyncset.done $0x0  }
0x11c: {  	[sflag:s2] =	ssyncadd.s32 $0xFFFFFB00  }
0x11d: {  	_ =	sfence.sel $0x180000  }
0x11e: {  	[bflag:$0x0] =	sbarrier.arrive $0xFFFF  }
0x11f: {  	_ =	strace $0x9000004A  }
0x120: {  	s0 =	stileid.u32;
	[bflag:$0x2] =	sbarrier.arrive $0xFFFF  }
0x121: {  	p0 =	sne.s32 s0, $0x0;
	s0 =	rddreg [dreg:$0x1]  }
0x122: {  	s0 =	sadd.s32 @!p0 $0x100000, s0  }
0x123: {  	[sflag:s0] =	ssyncadd.tile.s32 @!p0 $0x1;
	_ =	shalt  }
.Lfunc_end2:
_tile_overlayer_lowered:
.L_overlay_start_2:
0x124: {  	(tag) =	ssettag $0x2  }
0x125: {  	s0 =	rddreg [dreg:$0x0];
	s2 =	stileid.u32  }
0x126: {  	s1 =	rddreg [dreg:$0x1];
	p0 =	sne.s32 s2, $0x0  }
0x127: {  	s3 =	rddreg [dreg:$0x2];
	[bflag:$0x3] =	sbarrier.arrive $0xFFFF;
	s2 =	simm.s32 @!p0 $0x1C07  }
0x128: {  	[timem:s3], [sflag:s2] =	dma.local @!p0 [hbm:s0], s1  }
0x129: {  	s0 =	simm.s32 @!p0 $0x7  }
0x12a: {  	_ =	swait.ge @!p0 [sflag:s0], s1  }
0x12b: {  	s1 =	ssub.s32 @!p0 $0x0, s1;
	[sflag:s0] =	ssyncset.done @!p0 $0x0  }
0x12c: {  	[sflag:s0] =	ssyncadd.s32 @!p0 s1  }
0x12d: {  	[bflag:$0x3] =	sbarrier.arrive $0xFFFF  }
0x12e: {  	_ =	shalt  }

// kernel: kernel.7.cloned.1.call-start
scs
__scs_entry_jumppad:
0x0: {  	(pc) =	sbr.rel $0x88, $3  }
0x1: {  	(tag) =	ssettag $0x0;
	lr =	simm.s32 $0x1  }
0x2: {  	[smem:$0x3F97] =	sst lr;
	_ =	strace $0xD0000000  }
0x3: {  	_ = 	snop  }
0x4: {  	_ = 	snop  }
0x5: {  	_ = 	snop  }
0x6: {  	_ = 	snop  }
0x7: {  	_ = 	snop  }
__scs_overlays_trampoline_lowered:
0x8: {  	[smem:$0x3FA6] =	sst s0  }
0x9: {  	[smem:$0x3FA7] =	sst s1  }
0xa: {  	[smem:$0x3FA8] =	sst s2  }
0xb: {  	[smem:$0x3FA9] =	sst s3  }
0xc: {  	[smem:$0x3FAA] =	sst s4  }
0xd: {  	[smem:$0x3FAB] =	sst s5  }
0xe: {  	[smem:$0x3FAC] =	sst s6  }
0xf: {  	[smem:$0x3FAD] =	sst s7  }
0x10: {  	[smem:$0x3FAE] =	sst s8  }
0x11: {  	[smem:$0x3FAF] =	sst s9;
	s0 =	simm.s32 @!p0 $0x0  }
0x12: {  	s1 =	sld [smem:$0x3F95];
	s0 =	simm.s32 @p0 $0x1  }
0x13: {  	[smem:$0x3FB0] =	sst s0;
	s0 =	simm.s32 @!p1 $0x0  }
0x14: {  	s2 =	sld [smem:$0x3F94];
	s0 =	simm.s32 @p1 $0x1  }
0x15: {  	[smem:$0x3FB1] =	sst s0;
	s0 =	simm.s32 @!p2 $0x0  }
0x16: {  	s3 =	sld [smem:$0x3FDB];
	s0 =	simm.s32 @p2 $0x1  }
0x17: {  	s4 =	simm.s32 $0x1BF5;
	[smem:$0x3FB3] =	sst s0  }
0x18: {  	s0 =	sld [smem:$0x3F96];
	_ =	swait.ge [sflag:s4], $0x0  }
0x19: {  	s7 =	sld [smem:$0x3F97]  }
0x1a: {  	s8 =	sadd.s32 $0xFFFFE003, lr  }
0x1b: {  	s9 =	sadd.s32 $0xFFFFFEF7, lr;
	s5 =	simm.s32 $0xFFFFFFFF;
	p2 =	slt.u32 s8, $0xFFFFF086  }
0x1c: {  	p1 =	slt.u32 s9, $0xF7A;
	s5 =	simm.s32 @!p2 $0x0  }
0x1d: {  	s5 =	simm.s32 @p1 $0x1;
	p0 =	seq.s32 s7, s2  }
0x1e: {  	s7 =	smul.u32 @!p0 $0xF7A, s2;
	p2 =	seq.s32 @!p0 s5, $0x0  }
0x1f: {  	s9 =	smul.u32 $0xF7A, s1;
	s8 =	simm.s32 @!p0 $0x1BF5;
	p2 =	por !p2, p0  }
0x20: {  	[sflag:s8] =	ssyncset.s32 @!p0 $0xFFFFF086;
	s6 =	sadd.s32 @!p0 s3, s7;
	s7 =	simm.s32 @!p0 $0x108  }
0x21: {  	s3 =	sadd.s32 s3, s9;
	s6 =	sadd.s32 @!p0 $0x88, s6;
	s7 =	simm.s32 @p2 $0x1082  }
0x22: {  	[simem:s7], [sflag:s8] =	dma.local @!p0 [hbm:s6], $0xF7A  }
0x23: {  	s9 =	sor.u32 $0xD0000000, s2;
	s6 =	simm.s32 $0x108;
	_ =	swait.ge @!p0 [sflag:s8], $0x0  }
0x24: {  	s3 =	sadd.s32 $0x88, s3;
	s6 =	simm.s32 @!p1 $0x1082;
	[sflag:s4] =	ssyncset.s32 $0xFFFFF086  }
0x25: {  	[simem:s6], [sflag:s4] =	dma.local [hbm:s3], $0xF7A  }
0x26: {  	[smem:$0x3F97] =	sst s1;
	(tag) =	ssettag s2;
	_ =	strace s9  }
0x27: {  	s1 =	sld [smem:$0x3FA7]  }
0x28: {  	s2 =	sld [smem:$0x3FA8]  }
0x29: {  	s4 =	sld [smem:$0x3FAA]  }
0x2a: {  	p0 =	seq.s32 s5, $0x0;
	s5 =	sld [smem:$0x3FAB]  }
0x2b: {  	s6 =	sld [smem:$0x3FAC]  }
0x2c: {  	s7 =	sld [smem:$0x3FAD]  }
0x2d: {  	s3 =	simm.s32 $0x108;
	s8 =	sld [smem:$0x3FAE]  }
0x2e: {  	s3 =	simm.s32 @!p0 $0x1082;
	s9 =	sld [smem:$0x3FAF]  }
0x2f: {  	lr =	sadd.s32 s0, s3;
	s0 =	sld [smem:$0x3FA6]  }
0x30: {  	s3 =	sld [smem:$0x3FA9]  }
0x31: {  	[smem:$0x3FB2] =	sst s10  }
0x32: {  	s10 =	sld [smem:$0x3FB0];
	_ =	sdelay $0x3  }
0x33: {  	p0 =	seq.s32 s10, $0x1;
	s10 =	sld [smem:$0x3FB2];
	_ =	sdelay $0x3  }
0x34: {  	[smem:$0x3FB2] =	sst s10  }
0x35: {  	s10 =	sld [smem:$0x3FB1];
	_ =	sdelay $0x3  }
0x36: {  	p1 =	seq.s32 s10, $0x1;
	s10 =	sld [smem:$0x3FB2];
	_ =	sdelay $0x3  }
0x37: {  	[smem:$0x3FB2] =	sst s10  }
0x38: {  	s10 =	sld [smem:$0x3FB3]  }
0x39: {  	_ = 	snop;
	(pc) =	sbr.ind lr, $3  }
0x3a: {  	_ = 	snop  }
0x3b: {  	_ = 	snop  }
0x3c: {  	p2 =	seq.s32 s10, $0x1;
	s10 =	sld [smem:$0x3FB2]  }
0x3d: {  	_ =	shalt  }
0x3e: {  	_ =	shalt  }
0x3f: {  	_ =	shalt  }
0x40: {  	_ =	shalt  }
0x41: {  	_ =	shalt  }
0x42: {  	_ =	shalt  }
0x43: {  	_ =	shalt  }
0x44: {  	_ =	shalt  }
0x45: {  	_ =	shalt  }
0x46: {  	_ =	shalt  }
0x47: {  	_ =	shalt  }
0x48: {  	_ =	shalt  }
0x49: {  	_ =	shalt  }
0x4a: {  	_ =	shalt  }
0x4b: {  	_ =	shalt  }
0x4c: {  	_ =	shalt  }
0x4d: {  	_ =	shalt  }
0x4e: {  	_ =	shalt  }
0x4f: {  	_ =	shalt  }
0x50: {  	_ =	shalt  }
0x51: {  	_ =	shalt  }
0x52: {  	_ =	shalt  }
0x53: {  	_ =	shalt  }
0x54: {  	_ =	shalt  }
0x55: {  	_ =	shalt  }
0x56: {  	_ =	shalt  }
0x57: {  	_ =	shalt  }
0x58: {  	_ =	shalt  }
0x59: {  	_ =	shalt  }
0x5a: {  	_ =	shalt  }
0x5b: {  	_ =	shalt  }
0x5c: {  	_ =	shalt  }
0x5d: {  	_ =	shalt  }
0x5e: {  	_ =	shalt  }
0x5f: {  	_ =	shalt  }
0x60: {  	_ =	shalt  }
0x61: {  	_ =	shalt  }
0x62: {  	_ =	shalt  }
0x63: {  	_ =	shalt  }
0x64: {  	_ =	shalt  }
0x65: {  	_ =	shalt  }
0x66: {  	_ =	shalt  }
0x67: {  	_ =	shalt  }
0x68: {  	_ =	shalt  }
0x69: {  	_ =	shalt  }
0x6a: {  	_ =	shalt  }
0x6b: {  	_ =	shalt  }
0x6c: {  	_ =	shalt  }
0x6d: {  	_ =	shalt  }
0x6e: {  	_ =	shalt  }
0x6f: {  	_ =	shalt  }
0x70: {  	_ =	shalt  }
0x71: {  	_ =	shalt  }
0x72: {  	_ =	shalt  }
0x73: {  	_ =	shalt  }
0x74: {  	_ =	shalt  }
0x75: {  	_ =	shalt  }
0x76: {  	_ =	shalt  }
0x77: {  	_ =	shalt  }
0x78: {  	_ =	shalt  }
0x79: {  	_ =	shalt  }
0x7a: {  	_ =	shalt  }
0x7b: {  	_ =	shalt  }
0x7c: {  	_ =	shalt  }
0x7d: {  	_ =	shalt  }
0x7e: {  	_ =	shalt  }
0x7f: {  	_ =	shalt  }
0x80: {  	_ =	shalt  }
0x81: {  	_ =	shalt  }
0x82: {  	_ =	shalt  }
0x83: {  	_ =	shalt  }
0x84: {  	_ =	shalt  }
0x85: {  	_ =	shalt  }
0x86: {  	_ =	shalt  }
0x87: {  	_ =	shalt  }
.Lfunc_end0:
.L_simem_size_0:
called_computation_lowered:
.L_overlay_start_0:
0x88: {  	s2 =	sld [smem:$0x3FD9]  }
0x89: {  	s3 =	sld [smem:$0x3FFE];
	_ =	sdelay $0x1  }
0x8a: {  	s1 =	srdreg.scid  }
0x8b: {  	s0 =	sand.u32 $0x1, s1  }
0x8c: {  	s17 =	sshll.u32 s0, $0xA;
	s2 =	sadd.s32 s3, s2  }
0x8d: {  	s2 =	sadd.s32 s2, s17  }
0x8e: {  	[smem:$0x3FBE] =	sst s2  }
0x8f: {  	_ = 	snop  }
0x90: {  	s2 =	sld [smem:$0x3FD0];
	(tm) =	ssettm $0x1  }
0x91: {  	s18 =	sld [smem:$0x3FFB];
	_ =	sdelay $0x3  }
0x92: {  	_ =	strace s18  }
0x93: {  	s3 =	sld [smem:$0x3FFC];
	_ =	sdelay $0x3  }
0x94: {  	_ =	strace s3  }
0x95: {  	s3 =	sld [smem:$0x3FFD];
	_ =	sdelay $0x3  }
0x96: {  	_ =	strace s3  }
0x97: {  	_ =	strace $0x8FFFFFFF  }
0x98: {  	s19 =	sld [smem:$0x3FDB];
	_ =	sdelay $0x1  }
0x99: {  	s4 =	simm.s32 $_scs_section_size  }
0x9a: {  	s5 =	simm.s32 $_size__tile_overlayer_lowered;
	s6 =	simm.s32 $_tile_overlayer_lowered  }
0x9b: {  	s22 =	simm.s32 $0x1BFF;
	s21 =	sshll.u32 s6, $0x1;
	s3 =	sadd.s32 s4, s19  }
0x9c: {  	s7 =	simm.s32 $0x0;
	s20 =	sshll.u32 s5, $0x1;
	s5 =	sadd.s32 s21, s3  }
0x9d: {  	[timem:s7], [sflag:s22] =	dma.local [hbm:s5], s20  }
0x9e: {  	_ =	swait.ge [sflag:s22], s20  }
0x9f: {  	s4 =	ssub.s32 $0x0, s20;
	[sflag:s22] =	ssyncset.done $0x0  }
0xa0: {  	[sflag:s22] =	ssyncadd.s32 s4;
	_ =	sdelay $0x1  }
0xa1: {  	s23 =	simm.s32 $0x1B8B  }
0xa2: {  	_ =	swait.ge [sflag:s23], $0x1  }
0xa3: {  	[sflag:s23] =	ssyncset.done $0x0  }
0xa4: {  	s25 =	simm.s32 $0x1B8E;
	s24 =	sld [smem:$0x3FFE];
	[sflag:s23] =	ssyncadd.s32 $0xFFFFFFFF  }
0xa5: {  	s26 =	simm.s32 $execute0_lowered;
	[smem:$0x3FD2] =	sst s25  }
0xa6: {  	s5 =	sshll.u32 s26, $0x1;
	_ =	strace $0x80000046;
	[dreg:$0x1] =	wrdreg $0xFFFFFFFF  }
0xa7: {  	s28 =	simm.s32 $_size_execute0_lowered;
	s3 =	sadd.s32 s3, s5;
	[dreg:$0x0] =	wrdreg $0x0  }
0xa8: {  	s5 =	sshll.u32 s28, $0x1;
	[dreg:$0x2] =	wrdreg s3  }
0xa9: {  	[dreg:$0x3] =	wrdreg s5  }
0xaa: {  	[dreg:$0x4] =	wrdreg $0xC0  }
0xab: {  	_ =	task [dreg:s7], $0x5FFFF  }
0xac: {  	[dreg:$0x1] =	wrdreg $0xFFFFFFFF  }
0xad: {  	[dreg:$0x0] =	wrdreg $0x60  }
0xae: {  	[dreg:$0x2] =	wrdreg s24  }
0xaf: {  	[dreg:$0x3] =	wrdreg s2  }
0xb0: {  	[dreg:$0x4] =	wrdreg $0x70000  }
0xb1: {  	[dreg:$0x5] =	wrdreg $0x9  }
0xb2: {  	_ =	task.clear_ibuf [dreg:s7], $0x6FFFF;
	_ =	strace $0x90000046  }
0xb3: {  	s29 =	simm.s32 $0x9;
	_ =	strace $0x80000048  }
0xb4: {  	_ =	swait.ge [sflag:s29], $0x1  }
0xb5: {  	[sflag:s29] =	ssyncadd.s32 $0xFFFFFFFF  }
0xb6: {  	_ =	strace $0x90000048  }
0xb7: {  	_ =	sfence  }
0xb8: {  	s30 =	sld [smem:$0x0];
	_ =	sdelay $0x2  }
0xb9: {  	s31 =	sshll.u32 s1, $0xD;
	s1 =	sshrl.u32 s1, $0x2  }
0xba: {  	s3 =	sand.u32 $0x4000, s31;
	s1 =	sadd.s32 s1, s30  }
0xbb: {  	s0 =	sor.u32 s3, s0;
	s1 =	sshll.u32 s1, $0x11  }
0xbc: {  	s0 =	sor.u32 s1, s0  }
0xbd: {  	s0 =	sadd.s32 $0x8F2B, s0  }
0xbe: {  	[sflag:s0] =	ssyncadd.remote.s32 $0x1  }
0xbf: {  	_ =	sfence.sel $0xFFFF  }
0xc0: {  	[dreg:$0x0] =	wrdreg $0xFFFFFFFF;
	(pc) =	sbr.abs _section_cstart, $3  }
0xc1: {  	[dreg:$0x1] =	wrdreg $0xFFFFFFFF  }
0xc2: {  	_ =	task.clear_ibuf [dreg:s7], $0x2FFFF;
	_ =	strace $0x9FFFFFFF  }
0xc3: {  	(tm) =	ssettm $0x7FFFFFFF  }
tec
execute0_lowered:
.L_overlay_start_1:
0x0: {  	(tag) =	ssettag $0x1  }
0x1: {  	s0 =	rddreg [dreg:$0x0]  }
0x2: {  	s3 =	rddreg [dreg:$0x2];
	s2 =	simm.s32 $0x0;
	s10 =	stileid.u32  }
0x3: {  	s1 =	srdreg.scid;
	s20 =	simm.s32 $0x1100;
	s21 =	simm.s32 $0x1180  }
0x4: {  	s22 =	simm.s32 $0x1200;
	s23 =	simm.s32 $0x1280;
	s29 =	simm.s32 $0x5  }
0x5: {  	s30 =	simm.s32 $0x6;
	s31 =	simm.s32 $0x7;
	s28 =	simm.s32 $0x1700  }
0x6: {  	[smem:$0x7FF] =	sst s2;
	s24 =	smul.u32 $0x14000, s10;
	s6 =	sadd.s32 $0x1400, s0  }
0x7: {  	s11 =	sadd.s32 $0x15400, s0;
	_ =	strace $0x80000047;
	[dreg:$0xc] =	wrdreg s6  }
0x8: {  	s1 =	sand.u32 $0x1, s1;
	s7 =	smul.u32 $0x50000, s10;
	[dreg:$0xd] =	wrdreg s11  }
0x9: {  	s5 =	sadd.s32 $0x29400, s0;
	s9 =	smul.u32 $0x5000, s10;
	[dreg:$0x5] =	wrdreg s20  }
0xa: {  	s14 =	sshll.u32 s10, $0x6;
	s4 =	smul.u32 $0x140000, s1;
	[dreg:$0x6] =	wrdreg s21  }
0xb: {  	s26 =	ssub.s32 $0x2, s1;
	s8 =	smul.u32 $0x50000, s1;
	[dreg:$0x7] =	wrdreg s22  }
0xc: {  	s1 =	sshll.u32 s1, $0x4;
	s20 =	simm.s32 $0x4800;
	[dreg:$0x8] =	wrdreg s23  }
0xd: {  	s21 =	simm.s32 $0x1;
	s22 =	simm.s32 $0x2;
	s23 =	simm.s32 $0x1A00  }
0xe: {  	s25 =	sshrl.u32 s24, $0x3;
	s12 =	sshrl.u32 s26, $0x1;
	s7 =	sshrl.u32 s7, $0x2  }
0xf: {  	s1 =	sor.u32 s10, s1;
	s10 =	simm.s32 $0x1B80;
	s6 =	sadd.s32 s25, s0  }
0x10: {  	s2 =	sadd.s32 s24, s4;
	s13 =	sadd.s32 s7, s3;
	s15 =	sadd.s32 s9, s8  }
0x11: {  	s9 =	sor.u32 $0x1C0A, s14;
	s1 =	smul.u32 $0x5000, s1;
	s24 =	simm.s32 $0x1300  }
0x12: {  	s25 =	simm.s32 $0x1380;
	s14 =	simm.s32 $0x1080;
	s7 =	simm.s32 $0x1680  }
0x13: {  	s4 =	simm.s32 $0x1780;
	s2 =	sshrl.u32 s2, $0x3;
	[dreg:$0x9] =	wrdreg s24  }
0x14: {  	s6 =	sadd.s32 $0x50600, s6;
	s16 =	sshrl.u32 s15, $0x3;
	[dreg:$0xa] =	wrdreg s25  }
0x15: {  	s15 =	simm.s32 $0xA;
	s24 =	simm.s32 $0x3;
	[dreg:$0xf] =	wrdreg s9  }
0x16: {  	s25 =	simm.s32 $0x1B00;
	s0 =	sadd.s32 s2, s0;
	[dreg:$0xe] =	wrdreg s6  }
0x17: {  	s2 =	ssub.s32 s26, s12;
	[dreg:$0x10] =	wrdreg s1;
	s18 =	sadd.s32 s16, s11  }
0x18: {  	s12 =	sshrl.u32 s13, $0x3;
	s26 =	simm.s32 $0x1400;
	[dreg:$0x4] =	wrdreg s18  }
0x19: {  	s16 =	simm.s32 $0x1000;
	s6 =	simm.s32 $0x1C00;
	[dreg:$0xb] =	wrdreg s26  }
0x1a: {  	s1 =	simm.s32 $0x9;
	s17 =	sadd.s32 $0x78600, s0;
	[dreg:$0x14] =	wrdreg s12  }
0x1b: {  	s11 =	simm.s32 $0x1880;
	s0 =	sadd.s32 $0xC8600, s0;
	[dreg:$0x11] =	wrdreg s17  }
0x1c: {  	s19 =	smax.u32 s2, $0x1;
	s18 =	simm.s32 $0x2000;
	[dreg:$0x12] =	wrdreg s0  }
0x1d: {  	s26 =	simm.s32 $0x4;
	s2 =	simm.s32 $0x0;
	[dreg:$0x13] =	wrdreg s19  }
0x1e: {  	s17 =	simm.s32 $0x50;
	s0 =	simm.s32 $0x8;
	s19 =	simm.s32 $0x1A80  }
.LBB2_1:
0x1f: {  	[dreg:$0x15] =	wrdreg s2  }
0x20: {  	s8 =	rddreg [dreg:$0xe]  }
0x21: {  	[spmem:s12], [sflag:s9] =	dma.local [hbm:s8], $0x2800  }
0x22: {  	_ =	swait.ge [sflag:s15], $0x2800  }
0x23: {  	[sflag:s15] =	ssyncset.done $0x0  }
0x24: {  	[sflag:s15] =	ssyncadd.s32 $0xFFFFD800  }
0x25: {  	s12 =	simm.s32 $0x0;
	[bflag:$0x0] =	sbarrier.arrive $0xFFFF  }
.LBB2_2:
0x26: {  	s8 =	sshll.u32 s12, $0xC;
	s9 =	rddreg [dreg:$0x10]  }
0x27: {  	s8 =	sadd.s32 s9, s8  }
0x28: {  	s13 =	rddreg [dreg:$0xc];
	s8 =	sshrl.u32 s8, $0x3  }
0x29: {  	s9 =	simm.s32 $0x0;
	s13 =	sadd.s32 s13, s8  }
0x2a: {  	[tilespmem:s9], [sflag:$0xA] =	stream.linear.gather [hbm4b:s13+s9], $0xC80, $0x38;
	[tilespmem:$0x1B000] =	vst v63  }
0x2b: {  	_ =	swait.ge [sflag:s15], $0xC80  }
0x2c: {  	[sflag:s15] =	ssyncset.done $0x0;
	s2 =	rddreg [dreg:$0xd]  }
0x2d: {  	[sflag:s15] =	ssyncadd.s32 $0xFFFFF380;
	s8 =	sadd.s32 s2, s8  }
0x2e: {  	[tilespmem:s16], [sflag:$0xA] =	stream.linear.gather [hbm4b:s8+s9], $0xC80, $0x38;
	[tilespmem:$0x1B000] =	vst v63  }
0x2f: {  	_ =	swait.ge [sflag:s15], $0xC80  }
0x30: {  	[sflag:s15] =	ssyncset.done $0x0  }
0x31: {  	[sflag:s15] =	ssyncadd.s32 $0xFFFFF380  }
0x32: {  	[tilespmem:s18], [sflag:$0x1] =	stream.indirect.gather [hbm4b:s5+s17], $0x80, s9, s17, $0xb8;
	[tilespmem:$0x1B000] =	vst v63  }
0x33: {  	s9 =	simm.s32 $0x80  }
0x34: {  	[tilespmem:s20], [sflag:$0x2] =	stream.indirect.gather [hbm4b:s5+s17], $0x80, s9, s17, $0xb8;
	[tilespmem:$0x1B000] =	vst v63  }
0x35: {  	_ =	swait.ge [sflag:s21], $0x2800  }
0x36: {  	[sflag:s21] =	ssyncset.done $0x0  }
0x37: {  	[sflag:s21] =	ssyncadd.s32 $0xFFFFD800  }
0x38: {  	[spmem:s3] =	stream.indirect.scatter.add.f32 [tilespmem:s18], [sflag:$0x3], $0x80, s16, s17, $0xb8;
	[tilespmem:$0x1B000] =	vst v63  }
0x39: {  	_ =	swait.ge [sflag:s22], $0x2800  }
0x3a: {  	[sflag:s22] =	ssyncset.done $0x0  }
0x3b: {  	[sflag:s22] =	ssyncadd.s32 $0xFFFFD800  }
0x3c: {  	[spmem:s3] =	stream.indirect.scatter.add.f32 [tilespmem:s20], [sflag:$0x4], $0x80, s14, s17, $0xb8;
	[tilespmem:$0x1B000] =	vst v63  }
0x3d: {  	_ =	swait.ge [sflag:s24], $0x2800  }
0x3e: {  	[sflag:s24] =	ssyncset.done $0x0  }
0x3f: {  	s13 =	simm.s32 $0x100;
	[sflag:s24] =	ssyncadd.s32 $0xFFFFD800  }
0x40: {  	[tilespmem:s18], [sflag:$0x1] =	stream.indirect.gather [hbm4b:s5+s17], $0x80, s13, s17, $0xb8;
	[tilespmem:$0x1B000] =	vst v63  }
0x41: {  	_ =	swait.ge [sflag:s21], $0x2800  }
0x42: {  	[sflag:s21] =	ssyncset.done $0x0  }
0x43: {  	s2 =	simm.s32 $0x1100;
	[sflag:s21] =	ssyncadd.s32 $0xFFFFD800  }
0x44: {  	[spmem:s3] =	stream.indirect.scatter.add.f32 [tilespmem:s18], [sflag:$0x3], $0x80, s2, s17, $0xb8;
	[tilespmem:$0x1B000] =	vst v63  }
0x45: {  	_ =	swait.ge [sflag:s26], $0x2800  }
0x46: {  	[sflag:s26] =	ssyncset.done $0x0  }
0x47: {  	s9 =	simm.s32 $0x180;
	[sflag:s26] =	ssyncadd.s32 $0xFFFFD800  }
0x48: {  	[tilespmem:s20], [sflag:$0x2] =	stream.indirect.gather [hbm4b:s5+s17], $0x80, s9, s17, $0xb8;
	[tilespmem:$0x1B000] =	vst v63  }
0x49: {  	_ =	swait.ge [sflag:s22], $0x2800  }
0x4a: {  	[sflag:s22] =	ssyncset.done $0x0  }
0x4b: {  	s13 =	simm.s32 $0x1180;
	[sflag:s22] =	ssyncadd.s32 $0xFFFFD800  }
0x4c: {  	[spmem:s3] =	stream.indirect.scatter.add.f32 [tilespmem:s20], [sflag:$0x4], $0x80, s13, s17, $0xb8;
	[tilespmem:$0x1B000] =	vst v63  }
0x4d: {  	_ =	swait.ge [sflag:s24], $0x2800  }
0x4e: {  	[sflag:s24] =	ssyncset.done $0x0  }
0x4f: {  	s8 =	simm.s32 $0x200;
	s13 =	simm.s32 $0xFFFFD800;
	[sflag:s24] =	ssyncadd.s32 $0xFFFFD800  }
.LBB2_3:
0x50: {  	[tilespmem:s18], [sflag:$0x1] =	stream.indirect.gather [hbm4b:s5+s17], $0x80, s8, s17, $0xb8;
	[tilespmem:$0x1B000] =	vst v63  }
0x51: {  	s8 =	smov.u32 s13  }
0x52: {  	p0 =	sne.s32 s13, $0xFFFFFC00;
	s13 =	sadd.s32 $0x400, s13;
	_ =	swait.ge [sflag:s21], $0x2800  }
0x53: {  	s8 =	sshra.s32 s8, $0x2;
	[sflag:s21] =	ssyncset.done $0x0  }
0x54: {  	s9 =	sadd.s32 $0x1C00, s8;
	[sflag:s21] =	ssyncadd.s32 $0xFFFFD800  }
0x55: {  	[spmem:s3] =	stream.indirect.scatter.add.f32 [tilespmem:s18], [sflag:$0x3], $0x80, s9, s17, $0xb8;
	[tilespmem:$0x1B000] =	vst v63  }
0x56: {  	_ =	swait.ge [sflag:s26], $0x2800  }
0x57: {  	[sflag:s26] =	ssyncset.done $0x0  }
0x58: {  	s9 =	sadd.s32 $0xC80, s8;
	[sflag:s26] =	ssyncadd.s32 $0xFFFFD800  }
0x59: {  	[tilespmem:s20], [sflag:$0x2] =	stream.indirect.gather [hbm4b:s5+s17], $0x80, s9, s17, $0xb8;
	[tilespmem:$0x1B000] =	vst v63  }
0x5a: {  	_ =	swait.ge [sflag:s22], $0x2800  }
0x5b: {  	[sflag:s22] =	ssyncset.done $0x0  }
.Ltmp0:
0x5c: {  	s9 =	sadd.s32 $0x1C80, s8;
	[sflag:s22] =	ssyncadd.s32 $0xFFFFD800;
	(pc) =	sbr.rel @p0 .LBB2_3-.Ltmp0, $4  }
0x5d: {  	[spmem:s3] =	stream.indirect.scatter.add.f32 [tilespmem:s20], [sflag:$0x4], $0x80, s9, s17, $0xb8;
	[tilespmem:$0x1B000] =	vst v63  }
0x5e: {  	_ =	swait.ge [sflag:s24], $0x2800  }
0x5f: {  	[sflag:s24] =	ssyncset.done $0x0  }
0x60: {  	s8 =	sadd.s32 $0xD00, s8;
	[sflag:s24] =	ssyncadd.s32 $0xFFFFD800  }
0x61: {  	[tilespmem:s18], [sflag:$0x1] =	stream.indirect.gather [hbm4b:s5+s17], $0x80, s8, s17, $0xb8;
	[tilespmem:$0x1B000] =	vst v63  }
0x62: {  	_ =	swait.ge [sflag:s21], $0x2800  }
0x63: {  	[sflag:s21] =	ssyncset.done $0x0  }
0x64: {  	s12 =	sadd.s32 $0x1, s12;
	[sflag:s21] =	ssyncadd.s32 $0xFFFFD800  }
0x65: {  	[spmem:s3] =	stream.indirect.scatter.add.f32 [tilespmem:s18], [sflag:$0x3], $0x80, s6, s17, $0xb8;
	[tilespmem:$0x1B000] =	vst v63  }
0x66: {  	p0 =	sne.s32 s12, $0x5;
	_ =	swait.ge [sflag:s26], $0x2800  }
.Ltmp1:
0x67: {  	[sflag:s26] =	ssyncset.done $0x0;
	(pc) =	sbr.rel @p0 .LBB2_2-.Ltmp1, $4  }
0x68: {  	[sflag:s26] =	ssyncadd.s32 $0xFFFFD800  }
0x69: {  	_ =	swait.ge [sflag:s24], $0x2800  }
0x6a: {  	[sflag:s24] =	ssyncset.done $0x0  }
0x6b: {  	[sflag:s24] =	ssyncadd.s32 $0xFFFFD800  }
0x6c: {  	[bflag:$0x0] =	sbarrier.arrive $0xFFFF  }
0x6d: {  	s9 =	rddreg [dreg:$0xf]  }
0x6e: {  	s8 =	rddreg [dreg:$0x11]  }
0x6f: {  	s12 =	rddreg [dreg:$0x14]  }
0x70: {  	[hbm:s8], [sflag:s9] =	dma.local [spmem:s12], $0x2800  }
0x71: {  	_ =	swait.ge [sflag:s15], $0x2800  }
0x72: {  	[sflag:s15] =	ssyncset.done $0x0  }
0x73: {  	[sflag:s15] =	ssyncadd.s32 $0xFFFFD800  }
0x74: {  	[bflag:$0x0] =	sbarrier.arrive $0xFFFF  }
0x75: {  	s13 =	rddreg [dreg:$0xe]  }
0x76: {  	[spmem:s12], [sflag:s9] =	dma.local [hbm:s13], $0x2800  }
0x77: {  	_ =	swait.ge [sflag:s15], $0x2800  }
0x78: {  	[sflag:s15] =	ssyncset.done $0x0  }
0x79: {  	[sflag:s15] =	ssyncadd.s32 $0xFFFFD800  }
0x7a: {  	s2 =	simm.s32 $0x0;
	s6 =	rddreg [dreg:$0x1]  }
0x7b: {  	[tilespmem:s18], [sflag:$0xA] =	stream.linear.gather [hbm4b:s6+s2], $0x2800, $0x38;
	[tilespmem:$0x1B000] =	vst v63  }
0x7c: {  	_ =	swait.ge [sflag:s15], $0x2800  }
0x7d: {  	[sflag:s15] =	ssyncset.done $0x0  }
0x7e: {  	[sflag:s15] =	ssyncadd.s32 $0xFFFFD800  }
0x7f: {  	[bflag:$0x0] =	sbarrier.arrive $0xFFFF  }
0x80: {  	s12 =	rddreg [dreg:$0x4]  }
0x81: {  	s2 =	simm.s32 $0x0;
	s8 =	sadd.s32 $0x0, s12  }
0x82: {  	[tilespmem:s16], [sflag:$0xA] =	stream.linear.gather [hbm4b:s8+s2], $0xC80, $0x38;
	[tilespmem:$0x1B000] =	vst v63  }
0x83: {  	_ =	swait.ge [sflag:s15], $0xC80  }
0x84: {  	[sflag:s15] =	ssyncset.done $0x0  }
0x85: {  	[sflag:s15] =	ssyncadd.s32 $0xFFFFF380  }
0x86: {  	[spmem:s3] =	stream.indirect.scatter.add.f32 [tilespmem:s18], [sflag:$0x5], $0x80, s16, s17, $0xb8;
	[tilespmem:$0x1B000] =	vst v63  }
0x87: {  	_ = 	snop  }
0x88: {  	[spmem:s3] =	stream.indirect.scatter.add.f32 [tilespmem:s18], [sflag:$0x6], $0x80, s14, s17, $0xb8;
	[tilespmem:$0x1B000] =	vst v63  }
0x89: {  	s13 =	rddreg [dreg:$0x5]  }
0x8a: {  	[spmem:s3] =	stream.indirect.scatter.add.f32 [tilespmem:s18], [sflag:$0x7], $0x80, s13, s17, $0xb8;
	[tilespmem:$0x1B000] =	vst v63  }
0x8b: {  	s2 =	rddreg [dreg:$0x6]  }
0x8c: {  	[spmem:s3] =	stream.indirect.scatter.add.f32 [tilespmem:s18], [sflag:$0x8], $0x80, s2, s17, $0xb8;
	[tilespmem:$0x1B000] =	vst v63  }
0x8d: {  	s6 =	rddreg [dreg:$0x7]  }
0x8e: {  	[spmem:s3] =	stream.indirect.scatter.add.f32 [tilespmem:s18], [sflag:$0x9], $0x80, s6, s17, $0xb8;
	[tilespmem:$0x1B000] =	vst v63  }
0x8f: {  	_ =	swait.ge [sflag:s29], $0x2800  }
0x90: {  	[sflag:s29] =	ssyncset.done $0x0  }
0x91: {  	s12 =	rddreg [dreg:$0x8];
	[sflag:s29] =	ssyncadd.s32 $0xFFFFD800  }
0x92: {  	[spmem:s3] =	stream.indirect.scatter.add.f32 [tilespmem:s18], [sflag:$0x5], $0x80, s12, s17, $0xb8;
	[tilespmem:$0x1B000] =	vst v63  }
0x93: {  	_ =	swait.ge [sflag:s30], $0x2800  }
0x94: {  	[sflag:s30] =	ssyncset.done $0x0  }
0x95: {  	s13 =	rddreg [dreg:$0x9];
	[sflag:s30] =	ssyncadd.s32 $0xFFFFD800  }
0x96: {  	[spmem:s3] =	stream.indirect.scatter.add.f32 [tilespmem:s18], [sflag:$0x6], $0x80, s13, s17, $0xb8;
	[tilespmem:$0x1B000] =	vst v63  }
0x97: {  	_ =	swait.ge [sflag:s31], $0x2800  }
0x98: {  	[sflag:s31] =	ssyncset.done $0x0  }
0x99: {  	s14 =	rddreg [dreg:$0xa];
	[sflag:s31] =	ssyncadd.s32 $0xFFFFD800  }
0x9a: {  	[spmem:s3] =	stream.indirect.scatter.add.f32 [tilespmem:s18], [sflag:$0x7], $0x80, s14, s17, $0xb8;
	[tilespmem:$0x1B000] =	vst v63  }
0x9b: {  	_ =	swait.ge [sflag:s0], $0x2800  }
0x9c: {  	[sflag:s0] =	ssyncset.done $0x0  }
0x9d: {  	s2 =	rddreg [dreg:$0xb];
	[sflag:s0] =	ssyncadd.s32 $0xFFFFD800  }
0x9e: {  	[spmem:s3] =	stream.indirect.scatter.add.f32 [tilespmem:s18], [sflag:$0x8], $0x80, s2, s17, $0xb8;
	[tilespmem:$0x1B000] =	vst v63  }
0x9f: {  	_ =	swait.ge [sflag:s1], $0x2800  }
0xa0: {  	[sflag:s1] =	ssyncset.done $0x0  }
0xa1: {  	s6 =	simm.s32 $0x1480;
	[sflag:s1] =	ssyncadd.s32 $0xFFFFD800  }
0xa2: {  	[spmem:s3] =	stream.indirect.scatter.add.f32 [tilespmem:s18], [sflag:$0x9], $0x80, s6, s17, $0xb8;
	[tilespmem:$0x1B000] =	vst v63  }
0xa3: {  	_ =	swait.ge [sflag:s29], $0x2800  }
0xa4: {  	[sflag:s29] =	ssyncset.done $0x0  }
0xa5: {  	s8 =	simm.s32 $0x1500;
	[sflag:s29] =	ssyncadd.s32 $0xFFFFD800  }
0xa6: {  	[spmem:s3] =	stream.indirect.scatter.add.f32 [tilespmem:s18], [sflag:$0x5], $0x80, s8, s17, $0xb8;
	[tilespmem:$0x1B000] =	vst v63  }
0xa7: {  	_ =	swait.ge [sflag:s30], $0x2800  }
0xa8: {  	[sflag:s30] =	ssyncset.done $0x0  }
0xa9: {  	s9 =	simm.s32 $0x1580;
	[sflag:s30] =	ssyncadd.s32 $0xFFFFD800  }
0xaa: {  	[spmem:s3] =	stream.indirect.scatter.add.f32 [tilespmem:s18], [sflag:$0x6], $0x80, s9, s17, $0xb8;
	[tilespmem:$0x1B000] =	vst v63  }
0xab: {  	_ =	swait.ge [sflag:s31], $0x2800  }
0xac: {  	[sflag:s31] =	ssyncset.done $0x0  }
0xad: {  	s14 =	simm.s32 $0x1600;
	[sflag:s31] =	ssyncadd.s32 $0xFFFFD800  }
0xae: {  	[spmem:s3] =	stream.indirect.scatter.add.f32 [tilespmem:s18], [sflag:$0x7], $0x80, s14, s17, $0xb8;
	[tilespmem:$0x1B000] =	vst v63  }
0xaf: {  	_ =	swait.ge [sflag:s0], $0x2800  }
0xb0: {  	[sflag:s0] =	ssyncset.done $0x0  }
0xb1: {  	[sflag:s0] =	ssyncadd.s32 $0xFFFFD800  }
0xb2: {  	[spmem:s3] =	stream.indirect.scatter.add.f32 [tilespmem:s18], [sflag:$0x8], $0x80, s7, s17, $0xb8;
	[tilespmem:$0x1B000] =	vst v63  }
0xb3: {  	_ =	swait.ge [sflag:s1], $0x2800  }
0xb4: {  	[sflag:s1] =	ssyncset.done $0x0  }
0xb5: {  	[sflag:s1] =	ssyncadd.s32 $0xFFFFD800  }
0xb6: {  	[spmem:s3] =	stream.indirect.scatter.add.f32 [tilespmem:s18], [sflag:$0x9], $0x80, s28, s17, $0xb8;
	[tilespmem:$0x1B000] =	vst v63  }
0xb7: {  	_ =	swait.ge [sflag:s29], $0x2800  }
0xb8: {  	[sflag:s29] =	ssyncset.done $0x0  }
0xb9: {  	[sflag:s29] =	ssyncadd.s32 $0xFFFFD800  }
0xba: {  	[spmem:s3] =	stream.indirect.scatter.add.f32 [tilespmem:s18], [sflag:$0x5], $0x80, s4, s17, $0xb8;
	[tilespmem:$0x1B000] =	vst v63  }
0xbb: {  	_ =	swait.ge [sflag:s30], $0x2800  }
0xbc: {  	[sflag:s30] =	ssyncset.done $0x0  }
0xbd: {  	s2 =	simm.s32 $0x1800;
	[sflag:s30] =	ssyncadd.s32 $0xFFFFD800  }
0xbe: {  	[spmem:s3] =	stream.indirect.scatter.add.f32 [tilespmem:s18], [sflag:$0x6], $0x80, s2, s17, $0xb8;
	[tilespmem:$0x1B000] =	vst v63  }
0xbf: {  	_ =	swait.ge [sflag:s31], $0x2800  }
0xc0: {  	[sflag:s31] =	ssyncset.done $0x0  }
0xc1: {  	[sflag:s31] =	ssyncadd.s32 $0xFFFFD800  }
0xc2: {  	[spmem:s3] =	stream.indirect.scatter.add.f32 [tilespmem:s18], [sflag:$0x7], $0x80, s11, s17, $0xb8;
	[tilespmem:$0x1B000] =	vst v63  }
0xc3: {  	_ =	swait.ge [sflag:s0], $0x2800  }
0xc4: {  	[sflag:s0] =	ssyncset.done $0x0  }
0xc5: {  	s13 =	simm.s32 $0x1900;
	[sflag:s0] =	ssyncadd.s32 $0xFFFFD800  }
0xc6: {  	[spmem:s3] =	stream.indirect.scatter.add.f32 [tilespmem:s18], [sflag:$0x8], $0x80, s13, s17, $0xb8;
	[tilespmem:$0x1B000] =	vst v63  }
0xc7: {  	_ =	swait.ge [sflag:s1], $0x2800  }
0xc8: {  	[sflag:s1] =	ssyncset.done $0x0  }
0xc9: {  	s14 =	simm.s32 $0x1980;
	[sflag:s1] =	ssyncadd.s32 $0xFFFFD800  }
0xca: {  	[spmem:s3] =	stream.indirect.scatter.add.f32 [tilespmem:s18], [sflag:$0x9], $0x80, s14, s17, $0xb8;
	[tilespmem:$0x1B000] =	vst v63  }
0xcb: {  	_ =	swait.ge [sflag:s29], $0x2800  }
0xcc: {  	[sflag:s29] =	ssyncset.done $0x0  }
0xcd: {  	[sflag:s29] =	ssyncadd.s32 $0xFFFFD800  }
0xce: {  	[spmem:s3] =	stream.indirect.scatter.add.f32 [tilespmem:s18], [sflag:$0x5], $0x80, s23, s17, $0xb8;
	[tilespmem:$0x1B000] =	vst v63  }
0xcf: {  	_ =	swait.ge [sflag:s30], $0x2800  }
0xd0: {  	[sflag:s30] =	ssyncset.done $0x0  }
0xd1: {  	[sflag:s30] =	ssyncadd.s32 $0xFFFFD800  }
0xd2: {  	[spmem:s3] =	stream.indirect.scatter.add.f32 [tilespmem:s18], [sflag:$0x6], $0x80, s19, s17, $0xb8;
	[tilespmem:$0x1B000] =	vst v63  }
0xd3: {  	_ =	swait.ge [sflag:s31], $0x2800  }
0xd4: {  	[sflag:s31] =	ssyncset.done $0x0  }
0xd5: {  	[sflag:s31] =	ssyncadd.s32 $0xFFFFD800  }
0xd6: {  	[spmem:s3] =	stream.indirect.scatter.add.f32 [tilespmem:s18], [sflag:$0x7], $0x80, s25, s17, $0xb8;
	[tilespmem:$0x1B000] =	vst v63  }
0xd7: {  	_ =	swait.ge [sflag:s0], $0x2800  }
0xd8: {  	[sflag:s0] =	ssyncset.done $0x0  }
0xd9: {  	[sflag:s0] =	ssyncadd.s32 $0xFFFFD800  }
0xda: {  	[spmem:s3] =	stream.indirect.scatter.add.f32 [tilespmem:s18], [sflag:$0x8], $0x80, s10, s17, $0xb8;
	[tilespmem:$0x1B000] =	vst v63  }
0xdb: {  	_ =	swait.ge [sflag:s1], $0x2800  }
0xdc: {  	[sflag:s1] =	ssyncset.done $0x0  }
0xdd: {  	s12 =	simm.s32 $0x1C00;
	[sflag:s1] =	ssyncadd.s32 $0xFFFFD800  }
0xde: {  	[spmem:s3] =	stream.indirect.scatter.add.f32 [tilespmem:s18], [sflag:$0x9], $0x80, s12, s17, $0xb8;
	[tilespmem:$0x1B000] =	vst v63  }
0xdf: {  	_ =	swait.ge [sflag:s29], $0x2800  }
0xe0: {  	[sflag:s29] =	ssyncset.done $0x0  }
0xe1: {  	[sflag:s29] =	ssyncadd.s32 $0xFFFFD800  }
0xe2: {  	_ =	swait.ge [sflag:s30], $0x2800  }
0xe3: {  	[sflag:s30] =	ssyncset.done $0x0  }
0xe4: {  	[sflag:s30] =	ssyncadd.s32 $0xFFFFD800  }
0xe5: {  	_ =	swait.ge [sflag:s31], $0x2800  }
0xe6: {  	[sflag:s31] =	ssyncset.done $0x0  }
0xe7: {  	[sflag:s31] =	ssyncadd.s32 $0xFFFFD800  }
0xe8: {  	_ =	swait.ge [sflag:s0], $0x2800  }
0xe9: {  	[sflag:s0] =	ssyncset.done $0x0  }
0xea: {  	[sflag:s0] =	ssyncadd.s32 $0xFFFFD800  }
0xeb: {  	s6 =	simm.s32 $0x1C00;
	s12 =	simm.s32 $0x200;
	_ =	swait.ge [sflag:s1], $0x2800  }
.LBB2_6:
0xec: {  	s8 =	rddreg [dreg:$0x4];
	s9 =	smov.u32 s12;
	[sflag:s1] =	ssyncset.done $0x0  }
0xed: {  	s8 =	sadd.s32 s9, s8;
	[sflag:s1] =	ssyncadd.s32 $0xFFFFD800;
	s9 =	simm.s32 $0x0  }
0xee: {  	[tilespmem:s16], [sflag:$0xA] =	stream.linear.gather [hbm4b:s8+s9], $0xC80, $0x38;
	[tilespmem:$0x1B000] =	vst v63  }
0xef: {  	_ =	swait.ge [sflag:s15], $0xC80  }
0xf0: {  	[sflag:s15] =	ssyncset.done $0x0  }
0xf1: {  	[sflag:s15] =	ssyncadd.s32 $0xFFFFF380  }
0xf2: {  	[spmem:s3] =	stream.indirect.scatter.add.f32 [tilespmem:s18], [sflag:$0x5], $0x80, s16, s17, $0xb8;
	[tilespmem:$0x1B000] =	vst v63  }
0xf3: {  	s9 =	simm.s32 $0x1080  }
0xf4: {  	[spmem:s3] =	stream.indirect.scatter.add.f32 [tilespmem:s18], [sflag:$0x6], $0x80, s9, s17, $0xb8;
	[tilespmem:$0x1B000] =	vst v63  }
0xf5: {  	s8 =	rddreg [dreg:$0x5]  }
0xf6: {  	[spmem:s3] =	stream.indirect.scatter.add.f32 [tilespmem:s18], [sflag:$0x7], $0x80, s8, s17, $0xb8;
	[tilespmem:$0x1B000] =	vst v63  }
0xf7: {  	s9 =	rddreg [dreg:$0x6]  }
0xf8: {  	[spmem:s3] =	stream.indirect.scatter.add.f32 [tilespmem:s18], [sflag:$0x8], $0x80, s9, s17, $0xb8;
	[tilespmem:$0x1B000] =	vst v63  }
0xf9: {  	s8 =	rddreg [dreg:$0x7]  }
0xfa: {  	[spmem:s3] =	stream.indirect.scatter.add.f32 [tilespmem:s18], [sflag:$0x9], $0x80, s8, s17, $0xb8;
	[tilespmem:$0x1B000] =	vst v63  }
0xfb: {  	_ =	swait.ge [sflag:s29], $0x2800  }
0xfc: {  	[sflag:s29] =	ssyncset.done $0x0  }
0xfd: {  	s9 =	rddreg [dreg:$0x8];
	[sflag:s29] =	ssyncadd.s32 $0xFFFFD800  }
0xfe: {  	[spmem:s3] =	stream.indirect.scatter.add.f32 [tilespmem:s18], [sflag:$0x5], $0x80, s9, s17, $0xb8;
	[tilespmem:$0x1B000] =	vst v63  }
0xff: {  	_ =	swait.ge [sflag:s30], $0x2800  }
0x100: {  	[sflag:s30] =	ssyncset.done $0x0  }
0x101: {  	s9 =	rddreg [dreg:$0x9];
	[sflag:s30] =	ssyncadd.s32 $0xFFFFD800  }
0x102: {  	[spmem:s3] =	stream.indirect.scatter.add.f32 [tilespmem:s18], [sflag:$0x6], $0x80, s9, s17, $0xb8;
	[tilespmem:$0x1B000] =	vst v63  }
0x103: {  	_ =	swait.ge [sflag:s31], $0x2800  }
0x104: {  	[sflag:s31] =	ssyncset.done $0x0  }
0x105: {  	s9 =	rddreg [dreg:$0xa];
	[sflag:s31] =	ssyncadd.s32 $0xFFFFD800  }
0x106: {  	[spmem:s3] =	stream.indirect.scatter.add.f32 [tilespmem:s18], [sflag:$0x7], $0x80, s9, s17, $0xb8;
	[tilespmem:$0x1B000] =	vst v63  }
0x107: {  	_ =	swait.ge [sflag:s0], $0x2800  }
0x108: {  	[sflag:s0] =	ssyncset.done $0x0  }
0x109: {  	s9 =	rddreg [dreg:$0xb];
	[sflag:s0] =	ssyncadd.s32 $0xFFFFD800  }
0x10a: {  	[spmem:s3] =	stream.indirect.scatter.add.f32 [tilespmem:s18], [sflag:$0x8], $0x80, s9, s17, $0xb8;
	[tilespmem:$0x1B000] =	vst v63  }
0x10b: {  	_ =	swait.ge [sflag:s1], $0x2800  }
0x10c: {  	[sflag:s1] =	ssyncset.done $0x0  }
0x10d: {  	s9 =	simm.s32 $0x1480;
	[sflag:s1] =	ssyncadd.s32 $0xFFFFD800  }
0x10e: {  	[spmem:s3] =	stream.indirect.scatter.add.f32 [tilespmem:s18], [sflag:$0x9], $0x80, s9, s17, $0xb8;
	[tilespmem:$0x1B000] =	vst v63  }
0x10f: {  	_ =	swait.ge [sflag:s29], $0x2800  }
0x110: {  	[sflag:s29] =	ssyncset.done $0x0  }
0x111: {  	s9 =	simm.s32 $0x1500;
	[sflag:s29] =	ssyncadd.s32 $0xFFFFD800  }
0x112: {  	[spmem:s3] =	stream.indirect.scatter.add.f32 [tilespmem:s18], [sflag:$0x5], $0x80, s9, s17, $0xb8;
	[tilespmem:$0x1B000] =	vst v63  }
0x113: {  	_ =	swait.ge [sflag:s30], $0x2800  }
0x114: {  	[sflag:s30] =	ssyncset.done $0x0  }
0x115: {  	s9 =	simm.s32 $0x1580;
	[sflag:s30] =	ssyncadd.s32 $0xFFFFD800  }
0x116: {  	[spmem:s3] =	stream.indirect.scatter.add.f32 [tilespmem:s18], [sflag:$0x6], $0x80, s9, s17, $0xb8;
	[tilespmem:$0x1B000] =	vst v63  }
0x117: {  	_ =	swait.ge [sflag:s31], $0x2800  }
0x118: {  	[sflag:s31] =	ssyncset.done $0x0  }
0x119: {  	s9 =	simm.s32 $0x1600;
	[sflag:s31] =	ssyncadd.s32 $0xFFFFD800  }
0x11a: {  	[spmem:s3] =	stream.indirect.scatter.add.f32 [tilespmem:s18], [sflag:$0x7], $0x80, s9, s17, $0xb8;
	[tilespmem:$0x1B000] =	vst v63  }
0x11b: {  	_ =	swait.ge [sflag:s0], $0x2800  }
0x11c: {  	[sflag:s0] =	ssyncset.done $0x0  }
0x11d: {  	[sflag:s0] =	ssyncadd.s32 $0xFFFFD800  }
0x11e: {  	[spmem:s3] =	stream.indirect.scatter.add.f32 [tilespmem:s18], [sflag:$0x8], $0x80, s7, s17, $0xb8;
	[tilespmem:$0x1B000] =	vst v63  }
0x11f: {  	_ =	swait.ge [sflag:s1], $0x2800  }
0x120: {  	[sflag:s1] =	ssyncset.done $0x0  }
0x121: {  	[sflag:s1] =	ssyncadd.s32 $0xFFFFD800  }
0x122: {  	[spmem:s3] =	stream.indirect.scatter.add.f32 [tilespmem:s18], [sflag:$0x9], $0x80, s28, s17, $0xb8;
	[tilespmem:$0x1B000] =	vst v63  }
0x123: {  	_ =	swait.ge [sflag:s29], $0x2800  }
0x124: {  	[sflag:s29] =	ssyncset.done $0x0  }
0x125: {  	[sflag:s29] =	ssyncadd.s32 $0xFFFFD800  }
0x126: {  	[spmem:s3] =	stream.indirect.scatter.add.f32 [tilespmem:s18], [sflag:$0x5], $0x80, s4, s17, $0xb8;
	[tilespmem:$0x1B000] =	vst v63  }
0x127: {  	_ =	swait.ge [sflag:s30], $0x2800  }
0x128: {  	[sflag:s30] =	ssyncset.done $0x0  }
0x129: {  	[sflag:s30] =	ssyncadd.s32 $0xFFFFD800  }
0x12a: {  	[spmem:s3] =	stream.indirect.scatter.add.f32 [tilespmem:s18], [sflag:$0x6], $0x80, s2, s17, $0xb8;
	[tilespmem:$0x1B000] =	vst v63  }
0x12b: {  	_ =	swait.ge [sflag:s31], $0x2800  }
0x12c: {  	[sflag:s31] =	ssyncset.done $0x0  }
0x12d: {  	[sflag:s31] =	ssyncadd.s32 $0xFFFFD800  }
0x12e: {  	[spmem:s3] =	stream.indirect.scatter.add.f32 [tilespmem:s18], [sflag:$0x7], $0x80, s11, s17, $0xb8;
	[tilespmem:$0x1B000] =	vst v63  }
0x12f: {  	_ =	swait.ge [sflag:s0], $0x2800  }
0x130: {  	[sflag:s0] =	ssyncset.done $0x0  }
0x131: {  	[sflag:s0] =	ssyncadd.s32 $0xFFFFD800  }
0x132: {  	[spmem:s3] =	stream.indirect.scatter.add.f32 [tilespmem:s18], [sflag:$0x8], $0x80, s13, s17, $0xb8;
	[tilespmem:$0x1B000] =	vst v63  }
0x133: {  	_ =	swait.ge [sflag:s1], $0x2800  }
0x134: {  	[sflag:s1] =	ssyncset.done $0x0  }
0x135: {  	[sflag:s1] =	ssyncadd.s32 $0xFFFFD800  }
0x136: {  	[spmem:s3] =	stream.indirect.scatter.add.f32 [tilespmem:s18], [sflag:$0x9], $0x80, s14, s17, $0xb8;
	[tilespmem:$0x1B000] =	vst v63  }
0x137: {  	_ =	swait.ge [sflag:s29], $0x2800  }
0x138: {  	[sflag:s29] =	ssyncset.done $0x0  }
0x139: {  	[sflag:s29] =	ssyncadd.s32 $0xFFFFD800  }
0x13a: {  	[spmem:s3] =	stream.indirect.scatter.add.f32 [tilespmem:s18], [sflag:$0x5], $0x80, s23, s17, $0xb8;
	[tilespmem:$0x1B000] =	vst v63  }
0x13b: {  	_ =	swait.ge [sflag:s30], $0x2800  }
0x13c: {  	[sflag:s30] =	ssyncset.done $0x0  }
0x13d: {  	[sflag:s30] =	ssyncadd.s32 $0xFFFFD800  }
0x13e: {  	[spmem:s3] =	stream.indirect.scatter.add.f32 [tilespmem:s18], [sflag:$0x6], $0x80, s19, s17, $0xb8;
	[tilespmem:$0x1B000] =	vst v63  }
0x13f: {  	_ =	swait.ge [sflag:s31], $0x2800  }
0x140: {  	[sflag:s31] =	ssyncset.done $0x0  }
0x141: {  	[sflag:s31] =	ssyncadd.s32 $0xFFFFD800  }
0x142: {  	[spmem:s3] =	stream.indirect.scatter.add.f32 [tilespmem:s18], [sflag:$0x7], $0x80, s25, s17, $0xb8;
	[tilespmem:$0x1B000] =	vst v63  }
0x143: {  	_ =	swait.ge [sflag:s0], $0x2800  }
0x144: {  	[sflag:s0] =	ssyncset.done $0x0  }
0x145: {  	[sflag:s0] =	ssyncadd.s32 $0xFFFFD800  }
0x146: {  	[spmem:s3] =	stream.indirect.scatter.add.f32 [tilespmem:s18], [sflag:$0x8], $0x80, s10, s17, $0xb8;
	[tilespmem:$0x1B000] =	vst v63  }
0x147: {  	_ =	swait.ge [sflag:s1], $0x2800  }
0x148: {  	[sflag:s1] =	ssyncset.done $0x0  }
0x149: {  	[sflag:s1] =	ssyncadd.s32 $0xFFFFD800  }
0x14a: {  	[spmem:s3] =	stream.indirect.scatter.add.f32 [tilespmem:s18], [sflag:$0x9], $0x80, s6, s17, $0xb8;
	[tilespmem:$0x1B000] =	vst v63  }
0x14b: {  	_ =	swait.ge [sflag:s29], $0x2800  }
0x14c: {  	[sflag:s29] =	ssyncset.done $0x0  }
0x14d: {  	[sflag:s29] =	ssyncadd.s32 $0xFFFFD800  }
0x14e: {  	_ =	swait.ge [sflag:s30], $0x2800  }
0x14f: {  	[sflag:s30] =	ssyncset.done $0x0  }
0x150: {  	[sflag:s30] =	ssyncadd.s32 $0xFFFFD800  }
0x151: {  	_ =	swait.ge [sflag:s31], $0x2800  }
0x152: {  	p0 =	sne.s32 s12, $0x800;
	[sflag:s31] =	ssyncset.done $0x0  }
.Ltmp2:
0x153: {  	[sflag:s31] =	ssyncadd.s32 $0xFFFFD800;
	(pc) =	sbr.rel @p0 .LBB2_6-.Ltmp2, $4  }
0x154: {  	_ =	swait.ge [sflag:s0], $0x2800  }
0x155: {  	[sflag:s0] =	ssyncset.done $0x0  }
0x156: {  	[sflag:s0] =	ssyncadd.s32 $0xFFFFD800  }
0x157: {  	s12 =	sadd.s32 $0x200, s12;
	_ =	swait.ge [sflag:s1], $0x2800  }
0x158: {  	[sflag:s1] =	ssyncset.done $0x0  }
0x159: {  	[sflag:s1] =	ssyncadd.s32 $0xFFFFD800  }
0x15a: {  	[bflag:$0x0] =	sbarrier.arrive $0xFFFF  }
0x15b: {  	s9 =	rddreg [dreg:$0xf]  }
0x15c: {  	s8 =	rddreg [dreg:$0x12]  }
0x15d: {  	s12 =	rddreg [dreg:$0x14]  }
0x15e: {  	[hbm:s8], [sflag:s9] =	dma.local [spmem:s12], $0x2800  }
0x15f: {  	_ =	swait.ge [sflag:s15], $0x2800  }
0x160: {  	s2 =	rddreg [dreg:$0x15]  }
0x161: {  	s14 =	rddreg [dreg:$0x13];
	s2 =	sadd.s32 $0x1, s2  }
0x162: {  	p0 =	sne.s32 s2, s14  }
.Ltmp3:
0x163: {  	_ = 	snop;
	(pc) =	sbr.rel @p0 .LBB2_1-.Ltmp3, $3  }
0x164: {  	_ =	sdelay $0x1  }
0x165: {  	[sflag:s15] =	ssyncset.done $0x0  }
0x166: {  	s6 =	simm.s32 $0x1C00;
	[sflag:s15] =	ssyncadd.s32 $0xFFFFD800;
	s14 =	simm.s32 $0x1080  }
0x167: {  	_ =	sfence.sel $0x180000  }
0x168: {  	[bflag:$0x0] =	sbarrier.arrive $0xFFFF  }
0x169: {  	_ =	strace $0x90000047  }
0x16a: {  	s0 =	stileid.u32;
	[bflag:$0x2] =	sbarrier.arrive $0xFFFF  }
0x16b: {  	p0 =	sne.s32 s0, $0x0;
	s0 =	rddreg [dreg:$0x3]  }
0x16c: {  	s0 =	sadd.s32 @!p0 $0x100000, s0  }
0x16d: {  	[sflag:s0] =	ssyncadd.tile.s32 @!p0 $0x1;
	_ =	shalt  }
.Lfunc_end2:
_tile_overlayer_lowered:
.L_overlay_start_2:
0x16e: {  	(tag) =	ssettag $0x2  }
0x16f: {  	s0 =	rddreg [dreg:$0x0];
	s2 =	stileid.u32  }
0x170: {  	s1 =	rddreg [dreg:$0x1];
	p0 =	sne.s32 s2, $0x0  }
0x171: {  	s3 =	rddreg [dreg:$0x2];
	[bflag:$0x3] =	sbarrier.arrive $0xFFFF;
	s2 =	simm.s32 @!p0 $0x1C0A  }
0x172: {  	[timem:s3], [sflag:s2] =	dma.local @!p0 [hbm:s0], s1  }
0x173: {  	s0 =	simm.s32 @!p0 $0xA  }
0x174: {  	_ =	swait.ge @!p0 [sflag:s0], s1  }
0x175: {  	s1 =	ssub.s32 @!p0 $0x0, s1;
	[sflag:s0] =	ssyncset.done @!p0 $0x0  }
0x176: {  	[sflag:s0] =	ssyncadd.s32 @!p0 s1  }
0x177: {  	[bflag:$0x3] =	sbarrier.arrive $0xFFFF  }
0x178: {  	_ =	shalt  }

</sc_bundles>
